<compile_context>
chip_gen: v7x
topology: tpu7x:2x2x1
jax: 0.10.2.dev20260603
libtpu: 0.0.44.dev20260713+nightly
codegen_flags: <defaults>
</compile_context>

<pallas_src>
import functools

import jax
import jax.numpy as jnp
from jax import lax
from jax.experimental import pallas as pl
from jax.experimental.pallas import tpu as pltpu
from jax.experimental.pallas import tpu_sc as plsc

_K = 256
_ROWS = 131072
_C = 81

_NSC = 8192
_W = 256
_NTILES = 32
_CPT = _NSC // _NTILES

_R = 8192
_NTC = _ROWS - _NSC
_GTC = _NTC // _R
_GPAD = 16


def _sc_kernel():
    mesh = plsc.VectorSubcoreMesh(core_axis_name="c", subcore_axis_name="s")

    @functools.partial(
        pl.kernel,
        out_type=jax.ShapeDtypeStruct((_NSC,), jnp.float32),
        mesh=mesh,
        scratch_types=[
            pltpu.VMEM((_C, _W), jnp.float32),
            pltpu.VMEM((_W,), jnp.int32),
            pltpu.VMEM((_W,), jnp.float32),
        ],
        compiler_params=pltpu.CompilerParams(use_tc_tiling_on_sc=True),
    )
    def sc_part(dt_hbm, lab_hbm, out_hbm, xbuf, lbuf, rbuf):
        wid = lax.axis_index("s") * 2 + lax.axis_index("c")
        base = wid * _CPT

        def chunk(ci, _):
            c0 = base + ci * _W
            pltpu.sync_copy(dt_hbm.at[:, pl.ds(c0, _W)], xbuf)
            pltpu.sync_copy(lab_hbm.at[0, pl.ds(c0, _W)], lbuf)

            def grp(g, _):
                off = g * 16
                lab16 = lbuf[pl.ds(off, 16)]
                acc = jnp.zeros((16,), jnp.float32)
                el = jnp.zeros((16,), jnp.float32)
                for j in range(_C):
                    ev = jnp.exp(xbuf[j, pl.ds(off, 16)])
                    acc = acc + ev
                    el = jnp.where(lab16 == j, ev, el)
                rbuf[pl.ds(off, 16)] = acc / el
                return 0

            lax.fori_loop(0, _W // 16, grp, 0)
            pltpu.sync_copy(rbuf, out_hbm.at[pl.ds(c0, _W)])
            return 0

        lax.fori_loop(0, _CPT // _W, chunk, 0)

    return sc_part


def _tc_body(d_ref, l_ref, r_ref, r_sc):
    i = pl.program_id(0)
    x = d_ref[...]
    e = jnp.exp(x)
    onehot = lax.broadcasted_iota(jnp.int32, (_C, _R), 0) == l_ref[...]
    me = jnp.where(onehot, e, 0.0)
    ones = jnp.ones((1, _C), jnp.float32)
    dn = (((1,), (0,)), ((), ()))
    s_row = lax.dot_general(
        ones, e, dn, preferred_element_type=jnp.float32)
    e_row = lax.dot_general(
        ones, me, dn, preferred_element_type=jnp.float32)
    row = pl.multiple_of(i * 8, 8)
    r_sc[pl.ds(row, 1), :] = s_row / e_row

    @pl.when(i == _GTC - 1)
    def _():
        rows = [r_sc[pl.ds(8 * k, 1), :] for k in range(_GTC)]
        rows.append(jnp.ones((_GPAD - _GTC, _R), jnp.float32))
        r_ref[...] = jnp.concatenate(rows, axis=0)


def _merge_body(a_ref, b_ref, out_ref):
    a = jnp.maximum(a_ref[...], 1.0)
    b = jnp.maximum(b_ref[...], 1.0)
    ba = lax.bitcast_convert_type(a, jnp.int32)
    bb = lax.bitcast_convert_type(b, jnp.int32)

    def it(_, lohi):
        lo, hi = lohi
        mid = lo + ((hi - lo) >> 1)
        cnt = (jnp.sum((ba >= mid).astype(jnp.int32))
               + jnp.sum((bb >= mid).astype(jnp.int32)))
        big = cnt >= _K
        return (jnp.where(big, mid, lo), jnp.where(big, hi, mid))

    lo, _ = lax.fori_loop(
        0, 31, it, (jnp.int32(0), jnp.int32(0x7F800001)), unroll=False)

    ea = jnp.log(a)
    eb = jnp.log(b)
    gt_a, gt_b = ba > lo, bb > lo
    eq_a, eq_b = ba == lo, bb == lo
    c_gt = (jnp.sum(gt_a.astype(jnp.int32))
            + jnp.sum(gt_b.astype(jnp.int32))).astype(jnp.float32)
    c_eq = (jnp.sum(eq_a.astype(jnp.int32))
            + jnp.sum(eq_b.astype(jnp.int32))).astype(jnp.float32)
    s_gt = jnp.sum(jnp.where(gt_a, ea, 0.0)) + jnp.sum(jnp.where(gt_b, eb, 0.0))
    s_eq = jnp.sum(jnp.where(eq_a, ea, 0.0)) + jnp.sum(jnp.where(eq_b, eb, 0.0))
    loss = (s_gt + (_K - c_gt) * (s_eq / c_eq)) / _K
    out_ref[0, 0] = loss


def kernel(dists, labels):
    dt = dists.T
    lab = labels.reshape(1, _ROWS).astype(jnp.int32)

    r_sc = _sc_kernel()(dt, lab)

    r_tc = pl.pallas_call(
        _tc_body,
        grid=(_GTC,),
        in_specs=[
            pl.BlockSpec((_C, _R), lambda i: (0, i + _NSC // _R)),
            pl.BlockSpec((1, _R), lambda i: (0, i + _NSC // _R)),
        ],
        out_specs=pl.BlockSpec((_GPAD, _R), lambda i: (0, 0)),
        out_shape=jax.ShapeDtypeStruct((_GPAD, _R), jnp.float32),
        scratch_shapes=[pltpu.VMEM((8 * _GTC, _R), jnp.float32)],
    )(dt, lab)

    loss = pl.pallas_call(
        _merge_body,
        in_specs=[
            pl.BlockSpec(memory_space=pltpu.MemorySpace.VMEM),
            pl.BlockSpec(memory_space=pltpu.MemorySpace.VMEM),
        ],
        out_specs=pl.BlockSpec(memory_space=pltpu.MemorySpace.SMEM),
        out_shape=jax.ShapeDtypeStruct((1, 1), jnp.float32),
    )(r_tc, r_sc.reshape(_NSC // 128, 128))
    return loss[0, 0]

# --- scband reference (transcript-rebuilt; emitter-appended) ---
"""Pipeline reference for scband-ohem-loss-33131377721757 (READ-ONLY COPY).

The authoritative reference and input builder live on the scoring server;
editing this copy changes nothing except your own understanding.
"""

import jax, jax.numpy as jnp
import numpy as np

SAMPLES = 256

def setup_inputs(seed: int = 0) -> dict:
    key = jax.random.key(seed)
    k1, k2 = jax.random.split(key)
    dists = jax.random.normal(k1, (131072, 81), dtype=jnp.float32)
    labels = jax.random.randint(k2, (131072, 1), 0, 81, dtype=jnp.int64)
    return {"dists": dists, "labels": labels}

def reference(dists, labels):
    n = dists.shape[0]
    # entropy = -F.log_softmax(dists, -1).gather(1, labels).view(-1)
    logp = jax.nn.log_softmax(dists, axis=-1)
    entropy = -jnp.take_along_axis(logp, labels, axis=1).reshape(-1)
    # _, idx = torch.topk(entropy, nums)
    _, idx = jax.lax.top_k(entropy, n)
    selected_idx = idx[:SAMPLES]
    sel_dists = jnp.take(dists, selected_idx, axis=0)
    sel_labels = jnp.take(labels, selected_idx, axis=0).reshape(-1)
    # nn.CrossEntropyLoss() with mean reduction
    logp_sel = jax.nn.log_softmax(sel_dists, axis=-1)
    loss = -jnp.take_along_axis(logp_sel, sel_labels[:, None], axis=1).mean()
    return loss

if __name__ == "__main__":
    import jax
    _d = setup_inputs()
    print(jax.jit(kernel)(*tuple(_d.values())))

</pallas_src>

<mosaic_0001>
#map = affine_map<(d0, d1) -> (0, 0)>
#map1 = affine_map<(d0, d1) -> (0)>
module attributes {stable_mosaic.version = 14 : i64} {
  func.func @sc_part(%arg0: i32, %arg1: i32, %arg2: memref<81x131072xf32, #tpu.memory_space<hbm>>, %arg3: memref<1x131072xi32, #tpu.memory_space<hbm>>, %arg4: memref<8192xf32, #tpu.memory_space<hbm>>, %arg5: memref<81x256xf32, #tpu.memory_space<vmem>>, %arg6: memref<256xi32, #tpu.memory_space<vmem>>, %arg7: memref<256xf32, #tpu.memory_space<vmem>>) attributes {dimension_semantics = [#tpu.dimension_semantics<core_parallel>, #tpu.dimension_semantics<subcore_parallel>], iteration_bounds = array<i64: 2, 16>, scalar_prefetch = 0 : i64, scratch_operands = 3 : i64, tpu.core_type = #tpu.core_type<sc_vector_subcore>, window_params = [{transform_indices = #map}, {transform_indices = #map}, {transform_indices = #map1}]} {
    %mul3A = arith.constant 2 : i32
    %mul3A_0 = arith.muli %arg1, %mul3A : i32
    %add3A = arith.addi %mul3A_0, %arg0 : i32
    %mul3A_1 = arith.constant 256 : i32
    %mul3A_2 = arith.muli %add3A, %mul3A_1 : i32
    %scan3A = arith.constant 0 : i32
    %scan3A_3 = arith.constant 0 : i32
    %mul3A_4 = arith.constant 256 : i32
    %mul3A_5 = arith.muli %scan3A_3, %mul3A_4 : i32
    %add3A_6 = arith.addi %mul3A_2, %mul3A_5 : i32
    "tpu.region"() ({
      %run_scoped3A_16 = tpu.sem_alloc : memref<!tpu.dma_semaphore, #tpu.memory_space<semaphore_mem>>
      %dma_start3A = arith.constant 0 : i32
      %dma_start3A_17 = tpu.memref_slice %arg2[%dma_start3A, %add3A_6] : memref<81x131072xf32, #tpu.memory_space<hbm>> -> memref<81x256xf32, #tpu.memory_space<hbm>>
      %dma_start3A_18 = arith.constant 0 : i32
      %dma_start3A_19 = tpu.memref_slice %arg2[%dma_start3A_18, %add3A_6] : memref<81x131072xf32, #tpu.memory_space<hbm>> -> memref<81x256xf32, #tpu.memory_space<hbm>>
      tpu.enqueue_dma source(%dma_start3A_19 : memref<81x256xf32, #tpu.memory_space<hbm>>) target(%arg5 : memref<81x256xf32, #tpu.memory_space<vmem>>) target_semaphore(%run_scoped3A_16 : memref<!tpu.dma_semaphore, #tpu.memory_space<semaphore_mem>>)
      %dma_wait3A = arith.constant 0 : i32
      %dma_wait3A_20 = tpu.memref_slice %arg2[%dma_wait3A, %add3A_6] : memref<81x131072xf32, #tpu.memory_space<hbm>> -> memref<81x256xf32, #tpu.memory_space<hbm>>
      %dma_wait3A_21 = arith.constant 0 : i32
      %dma_wait3A_22 = tpu.memref_slice %arg2[%dma_wait3A_21, %add3A_6] : memref<81x131072xf32, #tpu.memory_space<hbm>> -> memref<81x256xf32, #tpu.memory_space<hbm>>
      tpu.wait_dma2 semaphore(%run_scoped3A_16 : memref<!tpu.dma_semaphore, #tpu.memory_space<semaphore_mem>>) src(%dma_wait3A_22 : memref<81x256xf32, #tpu.memory_space<hbm>>) dst(%arg5 : memref<81x256xf32, #tpu.memory_space<vmem>>)
      tpu.yield
    }) : () -> ()
    %run_scoped3A = arith.constant 0 : i32
    "tpu.region"() ({
      %run_scoped3A_16 = tpu.sem_alloc : memref<!tpu.dma_semaphore, #tpu.memory_space<semaphore_mem>>
      %dma_start3A = tpu.memref_slice %arg3[%run_scoped3A, %add3A_6] : memref<1x131072xi32, #tpu.memory_space<hbm>> -> memref<1x256xi32, #tpu.memory_space<hbm>>
      %dma_start3A_17 = tpu.memref_squeeze %dma_start3A : memref<1x256xi32, #tpu.memory_space<hbm>> -> memref<256xi32, #tpu.memory_space<hbm>>
      %dma_start3A_18 = tpu.memref_slice %arg3[%run_scoped3A, %add3A_6] : memref<1x131072xi32, #tpu.memory_space<hbm>> -> memref<1x256xi32, #tpu.memory_space<hbm>>
      %dma_start3A_19 = tpu.memref_squeeze %dma_start3A_18 : memref<1x256xi32, #tpu.memory_space<hbm>> -> memref<256xi32, #tpu.memory_space<hbm>>
      tpu.enqueue_dma source(%dma_start3A_19 : memref<256xi32, #tpu.memory_space<hbm>>) target(%arg6 : memref<256xi32, #tpu.memory_space<vmem>>) target_semaphore(%run_scoped3A_16 : memref<!tpu.dma_semaphore, #tpu.memory_space<semaphore_mem>>)
      %dma_wait3A = tpu.memref_slice %arg3[%run_scoped3A, %add3A_6] : memref<1x131072xi32, #tpu.memory_space<hbm>> -> memref<1x256xi32, #tpu.memory_space<hbm>>
      %dma_wait3A_20 = tpu.memref_squeeze %dma_wait3A : memref<1x256xi32, #tpu.memory_space<hbm>> -> memref<256xi32, #tpu.memory_space<hbm>>
      %dma_wait3A_21 = tpu.memref_slice %arg3[%run_scoped3A, %add3A_6] : memref<1x131072xi32, #tpu.memory_space<hbm>> -> memref<1x256xi32, #tpu.memory_space<hbm>>
      %dma_wait3A_22 = tpu.memref_squeeze %dma_wait3A_21 : memref<1x256xi32, #tpu.memory_space<hbm>> -> memref<256xi32, #tpu.memory_space<hbm>>
      tpu.wait_dma2 semaphore(%run_scoped3A_16 : memref<!tpu.dma_semaphore, #tpu.memory_space<semaphore_mem>>) src(%dma_wait3A_22 : memref<256xi32, #tpu.memory_space<hbm>>) dst(%arg6 : memref<256xi32, #tpu.memory_space<vmem>>)
      tpu.yield
    }) : () -> ()
    %scan3A_7 = arith.constant 0 : i32
    %scan3A_8 = arith.constant 0 : i32
    %scan3A_9 = arith.constant 16 : i32
    %scan3A_10 = arith.addi %scan3A_8, %scan3A_9 : i32
    %scan3A_11 = arith.constant 1 : i32
    %scan3A_12 = scf.for %scan3A_16 = %scan3A_8 to %scan3A_10 step %scan3A_11 iter_args(%scan3A_17 = %scan3A_7) -> (i32)  : i32 {
      %mul3A_18 = arith.constant 16 : i32
      %mul3A_19 = arith.muli %scan3A_16, %mul3A_18 : i32
      %get3A = arith.index_cast %mul3A_19 : i32 to index
      %get3A_20 = tpu.vector_load %arg6[%get3A] {strides = array<i32>} : memref<256xi32, #tpu.memory_space<vmem>>, vector<16xi32>,
      %get3A_21 = vector.shape_cast %get3A_20 : vector<16xi32> to vector<16xi32>
      %broadcast_in_dim3A = arith.constant 0.000000e+00 : f32
      %broadcast_in_dim3A_22 = vector.broadcast %broadcast_in_dim3A : f32 to vector<16xf32>
      %broadcast_in_dim3A_23 = arith.constant 0.000000e+00 : f32
      %broadcast_in_dim3A_24 = vector.broadcast %broadcast_in_dim3A_23 : f32 to vector<16xf32>
      %get3A_25 = arith.constant 0 : i32
      %get3A_26 = arith.index_cast %get3A_25 : i32 to index
      %get3A_27 = arith.index_cast %mul3A_19 : i32 to index
      %get3A_28 = tpu.vector_load %arg5[%get3A_26, %get3A_27] {strides = array<i32>} : memref<81x256xf32, #tpu.memory_space<vmem>>, vector<1x16xf32>,
      %get3A_29 = vector.shape_cast %get3A_28 : vector<1x16xf32> to vector<16xf32>
      %exp3A = math.exp %get3A_29 : vector<16xf32>
      %add3A_30 = arith.addf %broadcast_in_dim3A_22, %exp3A : vector<16xf32>
      %eq3A = arith.constant 0 : i32
      %eq3A_31 = vector.broadcast %eq3A : i32 to vector<16xi32>
      %eq3A_32 = arith.cmpi eq, %get3A_21, %eq3A_31 : vector<16xi32>
      %select_n3A = arith.select %eq3A_32, %exp3A, %broadcast_in_dim3A_24 : vector<16xi1>, vector<16xf32>
      %get3A_33 = arith.constant 1 : i32
      %get3A_34 = arith.index_cast %get3A_33 : i32 to index
      %get3A_35 = arith.index_cast %mul3A_19 : i32 to index
      %get3A_36 = tpu.vector_load %arg5[%get3A_34, %get3A_35] {strides = array<i32>} : memref<81x256xf32, #tpu.memory_space<vmem>>, vector<1x16xf32>,
      %get3A_37 = vector.shape_cast %get3A_36 : vector<1x16xf32> to vector<16xf32>
      %exp3A_38 = math.exp %get3A_37 : vector<16xf32>
      %add3A_39 = arith.addf %add3A_30, %exp3A_38 : vector<16xf32>
      %eq3A_40 = arith.constant 1 : i32
      %eq3A_41 = vector.broadcast %eq3A_40 : i32 to vector<16xi32>
      %eq3A_42 = arith.cmpi eq, %get3A_21, %eq3A_41 : vector<16xi32>
      %select_n3A_43 = arith.select %eq3A_42, %exp3A_38, %select_n3A : vector<16xi1>, vector<16xf32>
      %get3A_44 = arith.constant 2 : i32
      %get3A_45 = arith.index_cast %get3A_44 : i32 to index
      %get3A_46 = arith.index_cast %mul3A_19 : i32 to index
      %get3A_47 = tpu.vector_load %arg5[%get3A_45, %get3A_46] {strides = array<i32>} : memref<81x256xf32, #tpu.memory_space<vmem>>, vector<1x16xf32>,
      %get3A_48 = vector.shape_cast %get3A_47 : vector<1x16xf32> to vector<16xf32>
      %exp3A_49 = math.exp %get3A_48 : vector<16xf32>
      %add3A_50 = arith.addf %add3A_39, %exp3A_49 : vector<16xf32>
      %eq3A_51 = arith.constant 2 : i32
      %eq3A_52 = vector.broadcast %eq3A_51 : i32 to vector<16xi32>
      %eq3A_53 = arith.cmpi eq, %get3A_21, %eq3A_52 : vector<16xi32>
      %select_n3A_54 = arith.select %eq3A_53, %exp3A_49, %select_n3A_43 : vector<16xi1>, vector<16xf32>
      %get3A_55 = arith.constant 3 : i32
      %get3A_56 = arith.index_cast %get3A_55 : i32 to index
      %get3A_57 = arith.index_cast %mul3A_19 : i32 to index
      %get3A_58 = tpu.vector_load %arg5[%get3A_56, %get3A_57] {strides = array<i32>} : memref<81x256xf32, #tpu.memory_space<vmem>>, vector<1x16xf32>,
      %get3A_59 = vector.shape_cast %get3A_58 : vector<1x16xf32> to vector<16xf32>
      %exp3A_60 = math.exp %get3A_59 : vector<16xf32>
      %add3A_61 = arith.addf %add3A_50, %exp3A_60 : vector<16xf32>
      %eq3A_62 = arith.constant 3 : i32
      %eq3A_63 = vector.broadcast %eq3A_62 : i32 to vector<16xi32>
      %eq3A_64 = arith.cmpi eq, %get3A_21, %eq3A_63 : vector<16xi32>
      %select_n3A_65 = arith.select %eq3A_64, %exp3A_60, %select_n3A_54 : vector<16xi1>, vector<16xf32>
      %get3A_66 = arith.constant 4 : i32
      %get3A_67 = arith.index_cast %get3A_66 : i32 to index
      %get3A_68 = arith.index_cast %mul3A_19 : i32 to index
      %get3A_69 = tpu.vector_load %arg5[%get3A_67, %get3A_68] {strides = array<i32>} : memref<81x256xf32, #tpu.memory_space<vmem>>, vector<1x16xf32>,
      %get3A_70 = vector.shape_cast %get3A_69 : vector<1x16xf32> to vector<16xf32>
      %exp3A_71 = math.exp %get3A_70 : vector<16xf32>
      %add3A_72 = arith.addf %add3A_61, %exp3A_71 : vector<16xf32>
      %eq3A_73 = arith.constant 4 : i32
      %eq3A_74 = vector.broadcast %eq3A_73 : i32 to vector<16xi32>
      %eq3A_75 = arith.cmpi eq, %get3A_21, %eq3A_74 : vector<16xi32>
      %select_n3A_76 = arith.select %eq3A_75, %exp3A_71, %select_n3A_65 : vector<16xi1>, vector<16xf32>
      %get3A_77 = arith.constant 5 : i32
      %get3A_78 = arith.index_cast %get3A_77 : i32 to index
      %get3A_79 = arith.index_cast %mul3A_19 : i32 to index
      %get3A_80 = tpu.vector_load %arg5[%get3A_78, %get3A_79] {strides = array<i32>} : memref<81x256xf32, #tpu.memory_space<vmem>>, vector<1x16xf32>,
      %get3A_81 = vector.shape_cast %get3A_80 : vector<1x16xf32> to vector<16xf32>
      %exp3A_82 = math.exp %get3A_81 : vector<16xf32>
      %add3A_83 = arith.addf %add3A_72, %exp3A_82 : vector<16xf32>
      %eq3A_84 = arith.constant 5 : i32
      %eq3A_85 = vector.broadcast %eq3A_84 : i32 to vector<16xi32>
      %eq3A_86 = arith.cmpi eq, %get3A_21, %eq3A_85 : vector<16xi32>
      %select_n3A_87 = arith.select %eq3A_86, %exp3A_82, %select_n3A_76 : vector<16xi1>, vector<16xf32>
      %get3A_88 = arith.constant 6 : i32
      %get3A_89 = arith.index_cast %get3A_88 : i32 to index
      %get3A_90 = arith.index_cast %mul3A_19 : i32 to index
      %get3A_91 = tpu.vector_load %arg5[%get3A_89, %get3A_90] {strides = array<i32>} : memref<81x256xf32, #tpu.memory_space<vmem>>, vector<1x16xf32>,
      %get3A_92 = vector.shape_cast %get3A_91 : vector<1x16xf32> to vector<16xf32>
      %exp3A_93 = math.exp %get3A_92 : vector<16xf32>
      %add3A_94 = arith.addf %add3A_83, %exp3A_93 : vector<16xf32>
      %eq3A_95 = arith.constant 6 : i32
      %eq3A_96 = vector.broadcast %eq3A_95 : i32 to vector<16xi32>
      %eq3A_97 = arith.cmpi eq, %get3A_21, %eq3A_96 : vector<16xi32>
      %select_n3A_98 = arith.select %eq3A_97, %exp3A_93, %select_n3A_87 : vector<16xi1>, vector<16xf32>
      %get3A_99 = arith.constant 7 : i32
      %get3A_100 = arith.index_cast %get3A_99 : i32 to index
      %get3A_101 = arith.index_cast %mul3A_19 : i32 to index
      %get3A_102 = tpu.vector_load %arg5[%get3A_100, %get3A_101] {strides = array<i32>} : memref<81x256xf32, #tpu.memory_space<vmem>>, vector<1x16xf32>,
      %get3A_103 = vector.shape_cast %get3A_102 : vector<1x16xf32> to vector<16xf32>
      %exp3A_104 = math.exp %get3A_103 : vector<16xf32>
      %add3A_105 = arith.addf %add3A_94, %exp3A_104 : vector<16xf32>
      %eq3A_106 = arith.constant 7 : i32
      %eq3A_107 = vector.broadcast %eq3A_106 : i32 to vector<16xi32>
      %eq3A_108 = arith.cmpi eq, %get3A_21, %eq3A_107 : vector<16xi32>
      %select_n3A_109 = arith.select %eq3A_108, %exp3A_104, %select_n3A_98 : vector<16xi1>, vector<16xf32>
      %get3A_110 = arith.constant 8 : i32
      %get3A_111 = arith.index_cast %get3A_110 : i32 to index
      %get3A_112 = arith.index_cast %mul3A_19 : i32 to index
      %get3A_113 = tpu.vector_load %arg5[%get3A_111, %get3A_112] {strides = array<i32>} : memref<81x256xf32, #tpu.memory_space<vmem>>, vector<1x16xf32>,
      %get3A_114 = vector.shape_cast %get3A_113 : vector<1x16xf32> to vector<16xf32>
      %exp3A_115 = math.exp %get3A_114 : vector<16xf32>
      %add3A_116 = arith.addf %add3A_105, %exp3A_115 : vector<16xf32>
      %eq3A_117 = arith.constant 8 : i32
      %eq3A_118 = vector.broadcast %eq3A_117 : i32 to vector<16xi32>
      %eq3A_119 = arith.cmpi eq, %get3A_21, %eq3A_118 : vector<16xi32>
      %select_n3A_120 = arith.select %eq3A_119, %exp3A_115, %select_n3A_109 : vector<16xi1>, vector<16xf32>
      %get3A_121 = arith.constant 9 : i32
      %get3A_122 = arith.index_cast %get3A_121 : i32 to index
      %get3A_123 = arith.index_cast %mul3A_19 : i32 to index
      %get3A_124 = tpu.vector_load %arg5[%get3A_122, %get3A_123] {strides = array<i32>} : memref<81x256xf32, #tpu.memory_space<vmem>>, vector<1x16xf32>,
      %get3A_125 = vector.shape_cast %get3A_124 : vector<1x16xf32> to vector<16xf32>
      %exp3A_126 = math.exp %get3A_125 : vector<16xf32>
      %add3A_127 = arith.addf %add3A_116, %exp3A_126 : vector<16xf32>
      %eq3A_128 = arith.constant 9 : i32
      %eq3A_129 = vector.broadcast %eq3A_128 : i32 to vector<16xi32>
      %eq3A_130 = arith.cmpi eq, %get3A_21, %eq3A_129 : vector<16xi32>
      %select_n3A_131 = arith.select %eq3A_130, %exp3A_126, %select_n3A_120 : vector<16xi1>, vector<16xf32>
      %get3A_132 = arith.constant 10 : i32
      %get3A_133 = arith.index_cast %get3A_132 : i32 to index
      %get3A_134 = arith.index_cast %mul3A_19 : i32 to index
      %get3A_135 = tpu.vector_load %arg5[%get3A_133, %get3A_134] {strides = array<i32>} : memref<81x256xf32, #tpu.memory_space<vmem>>, vector<1x16xf32>,
      %get3A_136 = vector.shape_cast %get3A_135 : vector<1x16xf32> to vector<16xf32>
      %exp3A_137 = math.exp %get3A_136 : vector<16xf32>
      %add3A_138 = arith.addf %add3A_127, %exp3A_137 : vector<16xf32>
      %eq3A_139 = arith.constant 10 : i32
      %eq3A_140 = vector.broadcast %eq3A_139 : i32 to vector<16xi32>
      %eq3A_141 = arith.cmpi eq, %get3A_21, %eq3A_140 : vector<16xi32>
      %select_n3A_142 = arith.select %eq3A_141, %exp3A_137, %select_n3A_131 : vector<16xi1>, vector<16xf32>
      %get3A_143 = arith.constant 11 : i32
      %get3A_144 = arith.index_cast %get3A_143 : i32 to index
      %get3A_145 = arith.index_cast %mul3A_19 : i32 to index
      %get3A_146 = tpu.vector_load %arg5[%get3A_144, %get3A_145] {strides = array<i32>} : memref<81x256xf32, #tpu.memory_space<vmem>>, vector<1x16xf32>,
      %get3A_147 = vector.shape_cast %get3A_146 : vector<1x16xf32> to vector<16xf32>
      %exp3A_148 = math.exp %get3A_147 : vector<16xf32>
      %add3A_149 = arith.addf %add3A_138, %exp3A_148 : vector<16xf32>
      %eq3A_150 = arith.constant 11 : i32
      %eq3A_151 = vector.broadcast %eq3A_150 : i32 to vector<16xi32>
      %eq3A_152 = arith.cmpi eq, %get3A_21, %eq3A_151 : vector<16xi32>
      %select_n3A_153 = arith.select %eq3A_152, %exp3A_148, %select_n3A_142 : vector<16xi1>, vector<16xf32>
      %get3A_154 = arith.constant 12 : i32
      %get3A_155 = arith.index_cast %get3A_154 : i32 to index
      %get3A_156 = arith.index_cast %mul3A_19 : i32 to index
      %get3A_157 = tpu.vector_load %arg5[%get3A_155, %get3A_156] {strides = array<i32>} : memref<81x256xf32, #tpu.memory_space<vmem>>, vector<1x16xf32>,
      %get3A_158 = vector.shape_cast %get3A_157 : vector<1x16xf32> to vector<16xf32>
      %exp3A_159 = math.exp %get3A_158 : vector<16xf32>
      %add3A_160 = arith.addf %add3A_149, %exp3A_159 : vector<16xf32>
      %eq3A_161 = arith.constant 12 : i32
      %eq3A_162 = vector.broadcast %eq3A_161 : i32 to vector<16xi32>
      %eq3A_163 = arith.cmpi eq, %get3A_21, %eq3A_162 : vector<16xi32>
      %select_n3A_164 = arith.select %eq3A_163, %exp3A_159, %select_n3A_153 : vector<16xi1>, vector<16xf32>
      %get3A_165 = arith.constant 13 : i32
      %get3A_166 = arith.index_cast %get3A_165 : i32 to index
      %get3A_167 = arith.index_cast %mul3A_19 : i32 to index
      %get3A_168 = tpu.vector_load %arg5[%get3A_166, %get3A_167] {strides = array<i32>} : memref<81x256xf32, #tpu.memory_space<vmem>>, vector<1x16xf32>,
      %get3A_169 = vector.shape_cast %get3A_168 : vector<1x16xf32> to vector<16xf32>
      %exp3A_170 = math.exp %get3A_169 : vector<16xf32>
      %add3A_171 = arith.addf %add3A_160, %exp3A_170 : vector<16xf32>
      %eq3A_172 = arith.constant 13 : i32
      %eq3A_173 = vector.broadcast %eq3A_172 : i32 to vector<16xi32>
      %eq3A_174 = arith.cmpi eq, %get3A_21, %eq3A_173 : vector<16xi32>
      %select_n3A_175 = arith.select %eq3A_174, %exp3A_170, %select_n3A_164 : vector<16xi1>, vector<16xf32>
      %get3A_176 = arith.constant 14 : i32
      %get3A_177 = arith.index_cast %get3A_176 : i32 to index
      %get3A_178 = arith.index_cast %mul3A_19 : i32 to index
      %get3A_179 = tpu.vector_load %arg5[%get3A_177, %get3A_178] {strides = array<i32>} : memref<81x256xf32, #tpu.memory_space<vmem>>, vector<1x16xf32>,
      %get3A_180 = vector.shape_cast %get3A_179 : vector<1x16xf32> to vector<16xf32>
      %exp3A_181 = math.exp %get3A_180 : vector<16xf32>
      %add3A_182 = arith.addf %add3A_171, %exp3A_181 : vector<16xf32>
      %eq3A_183 = arith.constant 14 : i32
      %eq3A_184 = vector.broadcast %eq3A_183 : i32 to vector<16xi32>
      %eq3A_185 = arith.cmpi eq, %get3A_21, %eq3A_184 : vector<16xi32>
      %select_n3A_186 = arith.select %eq3A_185, %exp3A_181, %select_n3A_175 : vector<16xi1>, vector<16xf32>
      %get3A_187 = arith.constant 15 : i32
      %get3A_188 = arith.index_cast %get3A_187 : i32 to index
      %get3A_189 = arith.index_cast %mul3A_19 : i32 to index
      %get3A_190 = tpu.vector_load %arg5[%get3A_188, %get3A_189] {strides = array<i32>} : memref<81x256xf32, #tpu.memory_space<vmem>>, vector<1x16xf32>,
      %get3A_191 = vector.shape_cast %get3A_190 : vector<1x16xf32> to vector<16xf32>
      %exp3A_192 = math.exp %get3A_191 : vector<16xf32>
      %add3A_193 = arith.addf %add3A_182, %exp3A_192 : vector<16xf32>
      %eq3A_194 = arith.constant 15 : i32
      %eq3A_195 = vector.broadcast %eq3A_194 : i32 to vector<16xi32>
      %eq3A_196 = arith.cmpi eq, %get3A_21, %eq3A_195 : vector<16xi32>
      %select_n3A_197 = arith.select %eq3A_196, %exp3A_192, %select_n3A_186 : vector<16xi1>, vector<16xf32>
      %get3A_198 = arith.constant 16 : i32
      %get3A_199 = arith.index_cast %get3A_198 : i32 to index
      %get3A_200 = arith.index_cast %mul3A_19 : i32 to index
      %get3A_201 = tpu.vector_load %arg5[%get3A_199, %get3A_200] {strides = array<i32>} : memref<81x256xf32, #tpu.memory_space<vmem>>, vector<1x16xf32>,
      %get3A_202 = vector.shape_cast %get3A_201 : vector<1x16xf32> to vector<16xf32>
      %exp3A_203 = math.exp %get3A_202 : vector<16xf32>
      %add3A_204 = arith.addf %add3A_193, %exp3A_203 : vector<16xf32>
      %eq3A_205 = arith.constant 16 : i32
      %eq3A_206 = vector.broadcast %eq3A_205 : i32 to vector<16xi32>
      %eq3A_207 = arith.cmpi eq, %get3A_21, %eq3A_206 : vector<16xi32>
      %select_n3A_208 = arith.select %eq3A_207, %exp3A_203, %select_n3A_197 : vector<16xi1>, vector<16xf32>
      %get3A_209 = arith.constant 17 : i32
      %get3A_210 = arith.index_cast %get3A_209 : i32 to index
      %get3A_211 = arith.index_cast %mul3A_19 : i32 to index
      %get3A_212 = tpu.vector_load %arg5[%get3A_210, %get3A_211] {strides = array<i32>} : memref<81x256xf32, #tpu.memory_space<vmem>>, vector<1x16xf32>,
      %get3A_213 = vector.shape_cast %get3A_212 : vector<1x16xf32> to vector<16xf32>
      %exp3A_214 = math.exp %get3A_213 : vector<16xf32>
      %add3A_215 = arith.addf %add3A_204, %exp3A_214 : vector<16xf32>
      %eq3A_216 = arith.constant 17 : i32
      %eq3A_217 = vector.broadcast %eq3A_216 : i32 to vector<16xi32>
      %eq3A_218 = arith.cmpi eq, %get3A_21, %eq3A_217 : vector<16xi32>
      %select_n3A_219 = arith.select %eq3A_218, %exp3A_214, %select_n3A_208 : vector<16xi1>, vector<16xf32>
      %get3A_220 = arith.constant 18 : i32
      %get3A_221 = arith.index_cast %get3A_220 : i32 to index
      %get3A_222 = arith.index_cast %mul3A_19 : i32 to index
      %get3A_223 = tpu.vector_load %arg5[%get3A_221, %get3A_222] {strides = array<i32>} : memref<81x256xf32, #tpu.memory_space<vmem>>, vector<1x16xf32>,
      %get3A_224 = vector.shape_cast %get3A_223 : vector<1x16xf32> to vector<16xf32>
      %exp3A_225 = math.exp %get3A_224 : vector<16xf32>
      %add3A_226 = arith.addf %add3A_215, %exp3A_225 : vector<16xf32>
      %eq3A_227 = arith.constant 18 : i32
      %eq3A_228 = vector.broadcast %eq3A_227 : i32 to vector<16xi32>
      %eq3A_229 = arith.cmpi eq, %get3A_21, %eq3A_228 : vector<16xi32>
      %select_n3A_230 = arith.select %eq3A_229, %exp3A_225, %select_n3A_219 : vector<16xi1>, vector<16xf32>
      %get3A_231 = arith.constant 19 : i32
      %get3A_232 = arith.index_cast %get3A_231 : i32 to index
      %get3A_233 = arith.index_cast %mul3A_19 : i32 to index
      %get3A_234 = tpu.vector_load %arg5[%get3A_232, %get3A_233] {strides = array<i32>} : memref<81x256xf32, #tpu.memory_space<vmem>>, vector<1x16xf32>,
      %get3A_235 = vector.shape_cast %get3A_234 : vector<1x16xf32> to vector<16xf32>
      %exp3A_236 = math.exp %get3A_235 : vector<16xf32>
      %add3A_237 = arith.addf %add3A_226, %exp3A_236 : vector<16xf32>
      %eq3A_238 = arith.constant 19 : i32
      %eq3A_239 = vector.broadcast %eq3A_238 : i32 to vector<16xi32>
      %eq3A_240 = arith.cmpi eq, %get3A_21, %eq3A_239 : vector<16xi32>
      %select_n3A_241 = arith.select %eq3A_240, %exp3A_236, %select_n3A_230 : vector<16xi1>, vector<16xf32>
      %get3A_242 = arith.constant 20 : i32
      %get3A_243 = arith.index_cast %get3A_242 : i32 to index
      %get3A_244 = arith.index_cast %mul3A_19 : i32 to index
      %get3A_245 = tpu.vector_load %arg5[%get3A_243, %get3A_244] {strides = array<i32>} : memref<81x256xf32, #tpu.memory_space<vmem>>, vector<1x16xf32>,
      %get3A_246 = vector.shape_cast %get3A_245 : vector<1x16xf32> to vector<16xf32>
      %exp3A_247 = math.exp %get3A_246 : vector<16xf32>
      %add3A_248 = arith.addf %add3A_237, %exp3A_247 : vector<16xf32>
      %eq3A_249 = arith.constant 20 : i32
      %eq3A_250 = vector.broadcast %eq3A_249 : i32 to vector<16xi32>
      %eq3A_251 = arith.cmpi eq, %get3A_21, %eq3A_250 : vector<16xi32>
      %select_n3A_252 = arith.select %eq3A_251, %exp3A_247, %select_n3A_241 : vector<16xi1>, vector<16xf32>
      %get3A_253 = arith.constant 21 : i32
      %get3A_254 = arith.index_cast %get3A_253 : i32 to index
      %get3A_255 = arith.index_cast %mul3A_19 : i32 to index
      %get3A_256 = tpu.vector_load %arg5[%get3A_254, %get3A_255] {strides = array<i32>} : memref<81x256xf32, #tpu.memory_space<vmem>>, vector<1x16xf32>,
      %get3A_257 = vector.shape_cast %get3A_256 : vector<1x16xf32> to vector<16xf32>
      %exp3A_258 = math.exp %get3A_257 : vector<16xf32>
      %add3A_259 = arith.addf %add3A_248, %exp3A_258 : vector<16xf32>
      %eq3A_260 = arith.constant 21 : i32
      %eq3A_261 = vector.broadcast %eq3A_260 : i32 to vector<16xi32>
      %eq3A_262 = arith.cmpi eq, %get3A_21, %eq3A_261 : vector<16xi32>
      %select_n3A_263 = arith.select %eq3A_262, %exp3A_258, %select_n3A_252 : vector<16xi1>, vector<16xf32>
      %get3A_264 = arith.constant 22 : i32
      %get3A_265 = arith.index_cast %get3A_264 : i32 to index
      %get3A_266 = arith.index_cast %mul3A_19 : i32 to index
      %get3A_267 = tpu.vector_load %arg5[%get3A_265, %get3A_266] {strides = array<i32>} : memref<81x256xf32, #tpu.memory_space<vmem>>, vector<1x16xf32>,
      %get3A_268 = vector.shape_cast %get3A_267 : vector<1x16xf32> to vector<16xf32>
      %exp3A_269 = math.exp %get3A_268 : vector<16xf32>
      %add3A_270 = arith.addf %add3A_259, %exp3A_269 : vector<16xf32>
      %eq3A_271 = arith.constant 22 : i32
      %eq3A_272 = vector.broadcast %eq3A_271 : i32 to vector<16xi32>
      %eq3A_273 = arith.cmpi eq, %get3A_21, %eq3A_272 : vector<16xi32>
      %select_n3A_274 = arith.select %eq3A_273, %exp3A_269, %select_n3A_263 : vector<16xi1>, vector<16xf32>
      %get3A_275 = arith.constant 23 : i32
      %get3A_276 = arith.index_cast %get3A_275 : i32 to index
      %get3A_277 = arith.index_cast %mul3A_19 : i32 to index
      %get3A_278 = tpu.vector_load %arg5[%get3A_276, %get3A_277] {strides = array<i32>} : memref<81x256xf32, #tpu.memory_space<vmem>>, vector<1x16xf32>,
      %get3A_279 = vector.shape_cast %get3A_278 : vector<1x16xf32> to vector<16xf32>
      %exp3A_280 = math.exp %get3A_279 : vector<16xf32>
      %add3A_281 = arith.addf %add3A_270, %exp3A_280 : vector<16xf32>
      %eq3A_282 = arith.constant 23 : i32
      %eq3A_283 = vector.broadcast %eq3A_282 : i32 to vector<16xi32>
      %eq3A_284 = arith.cmpi eq, %get3A_21, %eq3A_283 : vector<16xi32>
      %select_n3A_285 = arith.select %eq3A_284, %exp3A_280, %select_n3A_274 : vector<16xi1>, vector<16xf32>
      %get3A_286 = arith.constant 24 : i32
      %get3A_287 = arith.index_cast %get3A_286 : i32 to index
      %get3A_288 = arith.index_cast %mul3A_19 : i32 to index
      %get3A_289 = tpu.vector_load %arg5[%get3A_287, %get3A_288] {strides = array<i32>} : memref<81x256xf32, #tpu.memory_space<vmem>>, vector<1x16xf32>,
      %get3A_290 = vector.shape_cast %get3A_289 : vector<1x16xf32> to vector<16xf32>
      %exp3A_291 = math.exp %get3A_290 : vector<16xf32>
      %add3A_292 = arith.addf %add3A_281, %exp3A_291 : vector<16xf32>
      %eq3A_293 = arith.constant 24 : i32
      %eq3A_294 = vector.broadcast %eq3A_293 : i32 to vector<16xi32>
      %eq3A_295 = arith.cmpi eq, %get3A_21, %eq3A_294 : vector<16xi32>
      %select_n3A_296 = arith.select %eq3A_295, %exp3A_291, %select_n3A_285 : vector<16xi1>, vector<16xf32>
      %get3A_297 = arith.constant 25 : i32
      %get3A_298 = arith.index_cast %get3A_297 : i32 to index
      %get3A_299 = arith.index_cast %mul3A_19 : i32 to index
      %get3A_300 = tpu.vector_load %arg5[%get3A_298, %get3A_299] {strides = array<i32>} : memref<81x256xf32, #tpu.memory_space<vmem>>, vector<1x16xf32>,
      %get3A_301 = vector.shape_cast %get3A_300 : vector<1x16xf32> to vector<16xf32>
      %exp3A_302 = math.exp %get3A_301 : vector<16xf32>
      %add3A_303 = arith.addf %add3A_292, %exp3A_302 : vector<16xf32>
      %eq3A_304 = arith.constant 25 : i32
      %eq3A_305 = vector.broadcast %eq3A_304 : i32 to vector<16xi32>
      %eq3A_306 = arith.cmpi eq, %get3A_21, %eq3A_305 : vector<16xi32>
      %select_n3A_307 = arith.select %eq3A_306, %exp3A_302, %select_n3A_296 : vector<16xi1>, vector<16xf32>
      %get3A_308 = arith.constant 26 : i32
      %get3A_309 = arith.index_cast %get3A_308 : i32 to index
      %get3A_310 = arith.index_cast %mul3A_19 : i32 to index
      %get3A_311 = tpu.vector_load %arg5[%get3A_309, %get3A_310] {strides = array<i32>} : memref<81x256xf32, #tpu.memory_space<vmem>>, vector<1x16xf32>,
      %get3A_312 = vector.shape_cast %get3A_311 : vector<1x16xf32> to vector<16xf32>
      %exp3A_313 = math.exp %get3A_312 : vector<16xf32>
      %add3A_314 = arith.addf %add3A_303, %exp3A_313 : vector<16xf32>
      %eq3A_315 = arith.constant 26 : i32
      %eq3A_316 = vector.broadcast %eq3A_315 : i32 to vector<16xi32>
      %eq3A_317 = arith.cmpi eq, %get3A_21, %eq3A_316 : vector<16xi32>
      %select_n3A_318 = arith.select %eq3A_317, %exp3A_313, %select_n3A_307 : vector<16xi1>, vector<16xf32>
      %get3A_319 = arith.constant 27 : i32
      %get3A_320 = arith.index_cast %get3A_319 : i32 to index
      %get3A_321 = arith.index_cast %mul3A_19 : i32 to index
      %get3A_322 = tpu.vector_load %arg5[%get3A_320, %get3A_321] {strides = array<i32>} : memref<81x256xf32, #tpu.memory_space<vmem>>, vector<1x16xf32>,
      %get3A_323 = vector.shape_cast %get3A_322 : vector<1x16xf32> to vector<16xf32>
      %exp3A_324 = math.exp %get3A_323 : vector<16xf32>
      %add3A_325 = arith.addf %add3A_314, %exp3A_324 : vector<16xf32>
      %eq3A_326 = arith.constant 27 : i32
      %eq3A_327 = vector.broadcast %eq3A_326 : i32 to vector<16xi32>
      %eq3A_328 = arith.cmpi eq, %get3A_21, %eq3A_327 : vector<16xi32>
      %select_n3A_329 = arith.select %eq3A_328, %exp3A_324, %select_n3A_318 : vector<16xi1>, vector<16xf32>
      %get3A_330 = arith.constant 28 : i32
      %get3A_331 = arith.index_cast %get3A_330 : i32 to index
      %get3A_332 = arith.index_cast %mul3A_19 : i32 to index
      %get3A_333 = tpu.vector_load %arg5[%get3A_331, %get3A_332] {strides = array<i32>} : memref<81x256xf32, #tpu.memory_space<vmem>>, vector<1x16xf32>,
      %get3A_334 = vector.shape_cast %get3A_333 : vector<1x16xf32> to vector<16xf32>
      %exp3A_335 = math.exp %get3A_334 : vector<16xf32>
      %add3A_336 = arith.addf %add3A_325, %exp3A_335 : vector<16xf32>
      %eq3A_337 = arith.constant 28 : i32
      %eq3A_338 = vector.broadcast %eq3A_337 : i32 to vector<16xi32>
      %eq3A_339 = arith.cmpi eq, %get3A_21, %eq3A_338 : vector<16xi32>
      %select_n3A_340 = arith.select %eq3A_339, %exp3A_335, %select_n3A_329 : vector<16xi1>, vector<16xf32>
      %get3A_341 = arith.constant 29 : i32
      %get3A_342 = arith.index_cast %get3A_341 : i32 to index
      %get3A_343 = arith.index_cast %mul3A_19 : i32 to index
      %get3A_344 = tpu.vector_load %arg5[%get3A_342, %get3A_343] {strides = array<i32>} : memref<81x256xf32, #tpu.memory_space<vmem>>, vector<1x16xf32>,
      %get3A_345 = vector.shape_cast %get3A_344 : vector<1x16xf32> to vector<16xf32>
      %exp3A_346 = math.exp %get3A_345 : vector<16xf32>
      %add3A_347 = arith.addf %add3A_336, %exp3A_346 : vector<16xf32>
      %eq3A_348 = arith.constant 29 : i32
      %eq3A_349 = vector.broadcast %eq3A_348 : i32 to vector<16xi32>
      %eq3A_350 = arith.cmpi eq, %get3A_21, %eq3A_349 : vector<16xi32>
      %select_n3A_351 = arith.select %eq3A_350, %exp3A_346, %select_n3A_340 : vector<16xi1>, vector<16xf32>
      %get3A_352 = arith.constant 30 : i32
      %get3A_353 = arith.index_cast %get3A_352 : i32 to index
      %get3A_354 = arith.index_cast %mul3A_19 : i32 to index
      %get3A_355 = tpu.vector_load %arg5[%get3A_353, %get3A_354] {strides = array<i32>} : memref<81x256xf32, #tpu.memory_space<vmem>>, vector<1x16xf32>,
      %get3A_356 = vector.shape_cast %get3A_355 : vector<1x16xf32> to vector<16xf32>
      %exp3A_357 = math.exp %get3A_356 : vector<16xf32>
      %add3A_358 = arith.addf %add3A_347, %exp3A_357 : vector<16xf32>
      %eq3A_359 = arith.constant 30 : i32
      %eq3A_360 = vector.broadcast %eq3A_359 : i32 to vector<16xi32>
      %eq3A_361 = arith.cmpi eq, %get3A_21, %eq3A_360 : vector<16xi32>
      %select_n3A_362 = arith.select %eq3A_361, %exp3A_357, %select_n3A_351 : vector<16xi1>, vector<16xf32>
      %get3A_363 = arith.constant 31 : i32
      %get3A_364 = arith.index_cast %get3A_363 : i32 to index
      %get3A_365 = arith.index_cast %mul3A_19 : i32 to index
      %get3A_366 = tpu.vector_load %arg5[%get3A_364, %get3A_365] {strides = array<i32>} : memref<81x256xf32, #tpu.memory_space<vmem>>, vector<1x16xf32>,
      %get3A_367 = vector.shape_cast %get3A_366 : vector<1x16xf32> to vector<16xf32>
      %exp3A_368 = math.exp %get3A_367 : vector<16xf32>
      %add3A_369 = arith.addf %add3A_358, %exp3A_368 : vector<16xf32>
      %eq3A_370 = arith.constant 31 : i32
      %eq3A_371 = vector.broadcast %eq3A_370 : i32 to vector<16xi32>
      %eq3A_372 = arith.cmpi eq, %get3A_21, %eq3A_371 : vector<16xi32>
      %select_n3A_373 = arith.select %eq3A_372, %exp3A_368, %select_n3A_362 : vector<16xi1>, vector<16xf32>
      %get3A_374 = arith.constant 32 : i32
      %get3A_375 = arith.index_cast %get3A_374 : i32 to index
      %get3A_376 = arith.index_cast %mul3A_19 : i32 to index
      %get3A_377 = tpu.vector_load %arg5[%get3A_375, %get3A_376] {strides = array<i32>} : memref<81x256xf32, #tpu.memory_space<vmem>>, vector<1x16xf32>,
      %get3A_378 = vector.shape_cast %get3A_377 : vector<1x16xf32> to vector<16xf32>
      %exp3A_379 = math.exp %get3A_378 : vector<16xf32>
      %add3A_380 = arith.addf %add3A_369, %exp3A_379 : vector<16xf32>
      %eq3A_381 = arith.constant 32 : i32
      %eq3A_382 = vector.broadcast %eq3A_381 : i32 to vector<16xi32>
      %eq3A_383 = arith.cmpi eq, %get3A_21, %eq3A_382 : vector<16xi32>
      %select_n3A_384 = arith.select %eq3A_383, %exp3A_379, %select_n3A_373 : vector<16xi1>, vector<16xf32>
      %get3A_385 = arith.constant 33 : i32
      %get3A_386 = arith.index_cast %get3A_385 : i32 to index
      %get3A_387 = arith.index_cast %mul3A_19 : i32 to index
      %get3A_388 = tpu.vector_load %arg5[%get3A_386, %get3A_387] {strides = array<i32>} : memref<81x256xf32, #tpu.memory_space<vmem>>, vector<1x16xf32>,
      %get3A_389 = vector.shape_cast %get3A_388 : vector<1x16xf32> to vector<16xf32>
      %exp3A_390 = math.exp %get3A_389 : vector<16xf32>
      %add3A_391 = arith.addf %add3A_380, %exp3A_390 : vector<16xf32>
      %eq3A_392 = arith.constant 33 : i32
      %eq3A_393 = vector.broadcast %eq3A_392 : i32 to vector<16xi32>
      %eq3A_394 = arith.cmpi eq, %get3A_21, %eq3A_393 : vector<16xi32>
      %select_n3A_395 = arith.select %eq3A_394, %exp3A_390, %select_n3A_384 : vector<16xi1>, vector<16xf32>
      %get3A_396 = arith.constant 34 : i32
      %get3A_397 = arith.index_cast %get3A_396 : i32 to index
      %get3A_398 = arith.index_cast %mul3A_19 : i32 to index
      %get3A_399 = tpu.vector_load %arg5[%get3A_397, %get3A_398] {strides = array<i32>} : memref<81x256xf32, #tpu.memory_space<vmem>>, vector<1x16xf32>,
      %get3A_400 = vector.shape_cast %get3A_399 : vector<1x16xf32> to vector<16xf32>
      %exp3A_401 = math.exp %get3A_400 : vector<16xf32>
      %add3A_402 = arith.addf %add3A_391, %exp3A_401 : vector<16xf32>
      %eq3A_403 = arith.constant 34 : i32
      %eq3A_404 = vector.broadcast %eq3A_403 : i32 to vector<16xi32>
      %eq3A_405 = arith.cmpi eq, %get3A_21, %eq3A_404 : vector<16xi32>
      %select_n3A_406 = arith.select %eq3A_405, %exp3A_401, %select_n3A_395 : vector<16xi1>, vector<16xf32>
      %get3A_407 = arith.constant 35 : i32
      %get3A_408 = arith.index_cast %get3A_407 : i32 to index
      %get3A_409 = arith.index_cast %mul3A_19 : i32 to index
      %get3A_410 = tpu.vector_load %arg5[%get3A_408, %get3A_409] {strides = array<i32>} : memref<81x256xf32, #tpu.memory_space<vmem>>, vector<1x16xf32>,
      %get3A_411 = vector.shape_cast %get3A_410 : vector<1x16xf32> to vector<16xf32>
      %exp3A_412 = math.exp %get3A_411 : vector<16xf32>
      %add3A_413 = arith.addf %add3A_402, %exp3A_412 : vector<16xf32>
      %eq3A_414 = arith.constant 35 : i32
      %eq3A_415 = vector.broadcast %eq3A_414 : i32 to vector<16xi32>
      %eq3A_416 = arith.cmpi eq, %get3A_21, %eq3A_415 : vector<16xi32>
      %select_n3A_417 = arith.select %eq3A_416, %exp3A_412, %select_n3A_406 : vector<16xi1>, vector<16xf32>
      %get3A_418 = arith.constant 36 : i32
      %get3A_419 = arith.index_cast %get3A_418 : i32 to index
      %get3A_420 = arith.index_cast %mul3A_19 : i32 to index
      %get3A_421 = tpu.vector_load %arg5[%get3A_419, %get3A_420] {strides = array<i32>} : memref<81x256xf32, #tpu.memory_space<vmem>>, vector<1x16xf32>,
      %get3A_422 = vector.shape_cast %get3A_421 : vector<1x16xf32> to vector<16xf32>
      %exp3A_423 = math.exp %get3A_422 : vector<16xf32>
      %add3A_424 = arith.addf %add3A_413, %exp3A_423 : vector<16xf32>
      %eq3A_425 = arith.constant 36 : i32
      %eq3A_426 = vector.broadcast %eq3A_425 : i32 to vector<16xi32>
      %eq3A_427 = arith.cmpi eq, %get3A_21, %eq3A_426 : vector<16xi32>
      %select_n3A_428 = arith.select %eq3A_427, %exp3A_423, %select_n3A_417 : vector<16xi1>, vector<16xf32>
      %get3A_429 = arith.constant 37 : i32
      %get3A_430 = arith.index_cast %get3A_429 : i32 to index
      %get3A_431 = arith.index_cast %mul3A_19 : i32 to index
      %get3A_432 = tpu.vector_load %arg5[%get3A_430, %get3A_431] {strides = array<i32>} : memref<81x256xf32, #tpu.memory_space<vmem>>, vector<1x16xf32>,
      %get3A_433 = vector.shape_cast %get3A_432 : vector<1x16xf32> to vector<16xf32>
      %exp3A_434 = math.exp %get3A_433 : vector<16xf32>
      %add3A_435 = arith.addf %add3A_424, %exp3A_434 : vector<16xf32>
      %eq3A_436 = arith.constant 37 : i32
      %eq3A_437 = vector.broadcast %eq3A_436 : i32 to vector<16xi32>
      %eq3A_438 = arith.cmpi eq, %get3A_21, %eq3A_437 : vector<16xi32>
      %select_n3A_439 = arith.select %eq3A_438, %exp3A_434, %select_n3A_428 : vector<16xi1>, vector<16xf32>
      %get3A_440 = arith.constant 38 : i32
      %get3A_441 = arith.index_cast %get3A_440 : i32 to index
      %get3A_442 = arith.index_cast %mul3A_19 : i32 to index
      %get3A_443 = tpu.vector_load %arg5[%get3A_441, %get3A_442] {strides = array<i32>} : memref<81x256xf32, #tpu.memory_space<vmem>>, vector<1x16xf32>,
      %get3A_444 = vector.shape_cast %get3A_443 : vector<1x16xf32> to vector<16xf32>
      %exp3A_445 = math.exp %get3A_444 : vector<16xf32>
      %add3A_446 = arith.addf %add3A_435, %exp3A_445 : vector<16xf32>
      %eq3A_447 = arith.constant 38 : i32
      %eq3A_448 = vector.broadcast %eq3A_447 : i32 to vector<16xi32>
      %eq3A_449 = arith.cmpi eq, %get3A_21, %eq3A_448 : vector<16xi32>
      %select_n3A_450 = arith.select %eq3A_449, %exp3A_445, %select_n3A_439 : vector<16xi1>, vector<16xf32>
      %get3A_451 = arith.constant 39 : i32
      %get3A_452 = arith.index_cast %get3A_451 : i32 to index
      %get3A_453 = arith.index_cast %mul3A_19 : i32 to index
      %get3A_454 = tpu.vector_load %arg5[%get3A_452, %get3A_453] {strides = array<i32>} : memref<81x256xf32, #tpu.memory_space<vmem>>, vector<1x16xf32>,
      %get3A_455 = vector.shape_cast %get3A_454 : vector<1x16xf32> to vector<16xf32>
      %exp3A_456 = math.exp %get3A_455 : vector<16xf32>
      %add3A_457 = arith.addf %add3A_446, %exp3A_456 : vector<16xf32>
      %eq3A_458 = arith.constant 39 : i32
      %eq3A_459 = vector.broadcast %eq3A_458 : i32 to vector<16xi32>
      %eq3A_460 = arith.cmpi eq, %get3A_21, %eq3A_459 : vector<16xi32>
      %select_n3A_461 = arith.select %eq3A_460, %exp3A_456, %select_n3A_450 : vector<16xi1>, vector<16xf32>
      %get3A_462 = arith.constant 40 : i32
      %get3A_463 = arith.index_cast %get3A_462 : i32 to index
      %get3A_464 = arith.index_cast %mul3A_19 : i32 to index
      %get3A_465 = tpu.vector_load %arg5[%get3A_463, %get3A_464] {strides = array<i32>} : memref<81x256xf32, #tpu.memory_space<vmem>>, vector<1x16xf32>,
      %get3A_466 = vector.shape_cast %get3A_465 : vector<1x16xf32> to vector<16xf32>
      %exp3A_467 = math.exp %get3A_466 : vector<16xf32>
      %add3A_468 = arith.addf %add3A_457, %exp3A_467 : vector<16xf32>
      %eq3A_469 = arith.constant 40 : i32
      %eq3A_470 = vector.broadcast %eq3A_469 : i32 to vector<16xi32>
      %eq3A_471 = arith.cmpi eq, %get3A_21, %eq3A_470 : vector<16xi32>
      %select_n3A_472 = arith.select %eq3A_471, %exp3A_467, %select_n3A_461 : vector<16xi1>, vector<16xf32>
      %get3A_473 = arith.constant 41 : i32
      %get3A_474 = arith.index_cast %get3A_473 : i32 to index
      %get3A_475 = arith.index_cast %mul3A_19 : i32 to index
      %get3A_476 = tpu.vector_load %arg5[%get3A_474, %get3A_475] {strides = array<i32>} : memref<81x256xf32, #tpu.memory_space<vmem>>, vector<1x16xf32>,
      %get3A_477 = vector.shape_cast %get3A_476 : vector<1x16xf32> to vector<16xf32>
      %exp3A_478 = math.exp %get3A_477 : vector<16xf32>
      %add3A_479 = arith.addf %add3A_468, %exp3A_478 : vector<16xf32>
      %eq3A_480 = arith.constant 41 : i32
      %eq3A_481 = vector.broadcast %eq3A_480 : i32 to vector<16xi32>
      %eq3A_482 = arith.cmpi eq, %get3A_21, %eq3A_481 : vector<16xi32>
      %select_n3A_483 = arith.select %eq3A_482, %exp3A_478, %select_n3A_472 : vector<16xi1>, vector<16xf32>
      %get3A_484 = arith.constant 42 : i32
      %get3A_485 = arith.index_cast %get3A_484 : i32 to index
      %get3A_486 = arith.index_cast %mul3A_19 : i32 to index
      %get3A_487 = tpu.vector_load %arg5[%get3A_485, %get3A_486] {strides = array<i32>} : memref<81x256xf32, #tpu.memory_space<vmem>>, vector<1x16xf32>,
      %get3A_488 = vector.shape_cast %get3A_487 : vector<1x16xf32> to vector<16xf32>
      %exp3A_489 = math.exp %get3A_488 : vector<16xf32>
      %add3A_490 = arith.addf %add3A_479, %exp3A_489 : vector<16xf32>
      %eq3A_491 = arith.constant 42 : i32
      %eq3A_492 = vector.broadcast %eq3A_491 : i32 to vector<16xi32>
      %eq3A_493 = arith.cmpi eq, %get3A_21, %eq3A_492 : vector<16xi32>
      %select_n3A_494 = arith.select %eq3A_493, %exp3A_489, %select_n3A_483 : vector<16xi1>, vector<16xf32>
      %get3A_495 = arith.constant 43 : i32
      %get3A_496 = arith.index_cast %get3A_495 : i32 to index
      %get3A_497 = arith.index_cast %mul3A_19 : i32 to index
      %get3A_498 = tpu.vector_load %arg5[%get3A_496, %get3A_497] {strides = array<i32>} : memref<81x256xf32, #tpu.memory_space<vmem>>, vector<1x16xf32>,
      %get3A_499 = vector.shape_cast %get3A_498 : vector<1x16xf32> to vector<16xf32>
      %exp3A_500 = math.exp %get3A_499 : vector<16xf32>
      %add3A_501 = arith.addf %add3A_490, %exp3A_500 : vector<16xf32>
      %eq3A_502 = arith.constant 43 : i32
      %eq3A_503 = vector.broadcast %eq3A_502 : i32 to vector<16xi32>
      %eq3A_504 = arith.cmpi eq, %get3A_21, %eq3A_503 : vector<16xi32>
      %select_n3A_505 = arith.select %eq3A_504, %exp3A_500, %select_n3A_494 : vector<16xi1>, vector<16xf32>
      %get3A_506 = arith.constant 44 : i32
      %get3A_507 = arith.index_cast %get3A_506 : i32 to index
      %get3A_508 = arith.index_cast %mul3A_19 : i32 to index
      %get3A_509 = tpu.vector_load %arg5[%get3A_507, %get3A_508] {strides = array<i32>} : memref<81x256xf32, #tpu.memory_space<vmem>>, vector<1x16xf32>,
      %get3A_510 = vector.shape_cast %get3A_509 : vector<1x16xf32> to vector<16xf32>
      %exp3A_511 = math.exp %get3A_510 : vector<16xf32>
      %add3A_512 = arith.addf %add3A_501, %exp3A_511 : vector<16xf32>
      %eq3A_513 = arith.constant 44 : i32
      %eq3A_514 = vector.broadcast %eq3A_513 : i32 to vector<16xi32>
      %eq3A_515 = arith.cmpi eq, %get3A_21, %eq3A_514 : vector<16xi32>
      %select_n3A_516 = arith.select %eq3A_515, %exp3A_511, %select_n3A_505 : vector<16xi1>, vector<16xf32>
      %get3A_517 = arith.constant 45 : i32
      %get3A_518 = arith.index_cast %get3A_517 : i32 to index
      %get3A_519 = arith.index_cast %mul3A_19 : i32 to index
      %get3A_520 = tpu.vector_load %arg5[%get3A_518, %get3A_519] {strides = array<i32>} : memref<81x256xf32, #tpu.memory_space<vmem>>, vector<1x16xf32>,
      %get3A_521 = vector.shape_cast %get3A_520 : vector<1x16xf32> to vector<16xf32>
      %exp3A_522 = math.exp %get3A_521 : vector<16xf32>
      %add3A_523 = arith.addf %add3A_512, %exp3A_522 : vector<16xf32>
      %eq3A_524 = arith.constant 45 : i32
      %eq3A_525 = vector.broadcast %eq3A_524 : i32 to vector<16xi32>
      %eq3A_526 = arith.cmpi eq, %get3A_21, %eq3A_525 : vector<16xi32>
      %select_n3A_527 = arith.select %eq3A_526, %exp3A_522, %select_n3A_516 : vector<16xi1>, vector<16xf32>
      %get3A_528 = arith.constant 46 : i32
      %get3A_529 = arith.index_cast %get3A_528 : i32 to index
      %get3A_530 = arith.index_cast %mul3A_19 : i32 to index
      %get3A_531 = tpu.vector_load %arg5[%get3A_529, %get3A_530] {strides = array<i32>} : memref<81x256xf32, #tpu.memory_space<vmem>>, vector<1x16xf32>,
      %get3A_532 = vector.shape_cast %get3A_531 : vector<1x16xf32> to vector<16xf32>
      %exp3A_533 = math.exp %get3A_532 : vector<16xf32>
      %add3A_534 = arith.addf %add3A_523, %exp3A_533 : vector<16xf32>
      %eq3A_535 = arith.constant 46 : i32
      %eq3A_536 = vector.broadcast %eq3A_535 : i32 to vector<16xi32>
      %eq3A_537 = arith.cmpi eq, %get3A_21, %eq3A_536 : vector<16xi32>
      %select_n3A_538 = arith.select %eq3A_537, %exp3A_533, %select_n3A_527 : vector<16xi1>, vector<16xf32>
      %get3A_539 = arith.constant 47 : i32
      %get3A_540 = arith.index_cast %get3A_539 : i32 to index
      %get3A_541 = arith.index_cast %mul3A_19 : i32 to index
      %get3A_542 = tpu.vector_load %arg5[%get3A_540, %get3A_541] {strides = array<i32>} : memref<81x256xf32, #tpu.memory_space<vmem>>, vector<1x16xf32>,
      %get3A_543 = vector.shape_cast %get3A_542 : vector<1x16xf32> to vector<16xf32>
      %exp3A_544 = math.exp %get3A_543 : vector<16xf32>
      %add3A_545 = arith.addf %add3A_534, %exp3A_544 : vector<16xf32>
      %eq3A_546 = arith.constant 47 : i32
      %eq3A_547 = vector.broadcast %eq3A_546 : i32 to vector<16xi32>
      %eq3A_548 = arith.cmpi eq, %get3A_21, %eq3A_547 : vector<16xi32>
      %select_n3A_549 = arith.select %eq3A_548, %exp3A_544, %select_n3A_538 : vector<16xi1>, vector<16xf32>
      %get3A_550 = arith.constant 48 : i32
      %get3A_551 = arith.index_cast %get3A_550 : i32 to index
      %get3A_552 = arith.index_cast %mul3A_19 : i32 to index
      %get3A_553 = tpu.vector_load %arg5[%get3A_551, %get3A_552] {strides = array<i32>} : memref<81x256xf32, #tpu.memory_space<vmem>>, vector<1x16xf32>,
      %get3A_554 = vector.shape_cast %get3A_553 : vector<1x16xf32> to vector<16xf32>
      %exp3A_555 = math.exp %get3A_554 : vector<16xf32>
      %add3A_556 = arith.addf %add3A_545, %exp3A_555 : vector<16xf32>
      %eq3A_557 = arith.constant 48 : i32
      %eq3A_558 = vector.broadcast %eq3A_557 : i32 to vector<16xi32>
      %eq3A_559 = arith.cmpi eq, %get3A_21, %eq3A_558 : vector<16xi32>
      %select_n3A_560 = arith.select %eq3A_559, %exp3A_555, %select_n3A_549 : vector<16xi1>, vector<16xf32>
      %get3A_561 = arith.constant 49 : i32
      %get3A_562 = arith.index_cast %get3A_561 : i32 to index
      %get3A_563 = arith.index_cast %mul3A_19 : i32 to index
      %get3A_564 = tpu.vector_load %arg5[%get3A_562, %get3A_563] {strides = array<i32>} : memref<81x256xf32, #tpu.memory_space<vmem>>, vector<1x16xf32>,
      %get3A_565 = vector.shape_cast %get3A_564 : vector<1x16xf32> to vector<16xf32>
      %exp3A_566 = math.exp %get3A_565 : vector<16xf32>
      %add3A_567 = arith.addf %add3A_556, %exp3A_566 : vector<16xf32>
      %eq3A_568 = arith.constant 49 : i32
      %eq3A_569 = vector.broadcast %eq3A_568 : i32 to vector<16xi32>
      %eq3A_570 = arith.cmpi eq, %get3A_21, %eq3A_569 : vector<16xi32>
      %select_n3A_571 = arith.select %eq3A_570, %exp3A_566, %select_n3A_560 : vector<16xi1>, vector<16xf32>
      %get3A_572 = arith.constant 50 : i32
      %get3A_573 = arith.index_cast %get3A_572 : i32 to index
      %get3A_574 = arith.index_cast %mul3A_19 : i32 to index
      %get3A_575 = tpu.vector_load %arg5[%get3A_573, %get3A_574] {strides = array<i32>} : memref<81x256xf32, #tpu.memory_space<vmem>>, vector<1x16xf32>,
      %get3A_576 = vector.shape_cast %get3A_575 : vector<1x16xf32> to vector<16xf32>
      %exp3A_577 = math.exp %get3A_576 : vector<16xf32>
      %add3A_578 = arith.addf %add3A_567, %exp3A_577 : vector<16xf32>
      %eq3A_579 = arith.constant 50 : i32
      %eq3A_580 = vector.broadcast %eq3A_579 : i32 to vector<16xi32>
      %eq3A_581 = arith.cmpi eq, %get3A_21, %eq3A_580 : vector<16xi32>
      %select_n3A_582 = arith.select %eq3A_581, %exp3A_577, %select_n3A_571 : vector<16xi1>, vector<16xf32>
      %get3A_583 = arith.constant 51 : i32
      %get3A_584 = arith.index_cast %get3A_583 : i32 to index
      %get3A_585 = arith.index_cast %mul3A_19 : i32 to index
      %get3A_586 = tpu.vector_load %arg5[%get3A_584, %get3A_585] {strides = array<i32>} : memref<81x256xf32, #tpu.memory_space<vmem>>, vector<1x16xf32>,
      %get3A_587 = vector.shape_cast %get3A_586 : vector<1x16xf32> to vector<16xf32>
      %exp3A_588 = math.exp %get3A_587 : vector<16xf32>
      %add3A_589 = arith.addf %add3A_578, %exp3A_588 : vector<16xf32>
      %eq3A_590 = arith.constant 51 : i32
      %eq3A_591 = vector.broadcast %eq3A_590 : i32 to vector<16xi32>
      %eq3A_592 = arith.cmpi eq, %get3A_21, %eq3A_591 : vector<16xi32>
      %select_n3A_593 = arith.select %eq3A_592, %exp3A_588, %select_n3A_582 : vector<16xi1>, vector<16xf32>
      %get3A_594 = arith.constant 52 : i32
      %get3A_595 = arith.index_cast %get3A_594 : i32 to index
      %get3A_596 = arith.index_cast %mul3A_19 : i32 to index
      %get3A_597 = tpu.vector_load %arg5[%get3A_595, %get3A_596] {strides = array<i32>} : memref<81x256xf32, #tpu.memory_space<vmem>>, vector<1x16xf32>,
      %get3A_598 = vector.shape_cast %get3A_597 : vector<1x16xf32> to vector<16xf32>
      %exp3A_599 = math.exp %get3A_598 : vector<16xf32>
      %add3A_600 = arith.addf %add3A_589, %exp3A_599 : vector<16xf32>
      %eq3A_601 = arith.constant 52 : i32
      %eq3A_602 = vector.broadcast %eq3A_601 : i32 to vector<16xi32>
      %eq3A_603 = arith.cmpi eq, %get3A_21, %eq3A_602 : vector<16xi32>
      %select_n3A_604 = arith.select %eq3A_603, %exp3A_599, %select_n3A_593 : vector<16xi1>, vector<16xf32>
      %get3A_605 = arith.constant 53 : i32
      %get3A_606 = arith.index_cast %get3A_605 : i32 to index
      %get3A_607 = arith.index_cast %mul3A_19 : i32 to index
      %get3A_608 = tpu.vector_load %arg5[%get3A_606, %get3A_607] {strides = array<i32>} : memref<81x256xf32, #tpu.memory_space<vmem>>, vector<1x16xf32>,
      %get3A_609 = vector.shape_cast %get3A_608 : vector<1x16xf32> to vector<16xf32>
      %exp3A_610 = math.exp %get3A_609 : vector<16xf32>
      %add3A_611 = arith.addf %add3A_600, %exp3A_610 : vector<16xf32>
      %eq3A_612 = arith.constant 53 : i32
      %eq3A_613 = vector.broadcast %eq3A_612 : i32 to vector<16xi32>
      %eq3A_614 = arith.cmpi eq, %get3A_21, %eq3A_613 : vector<16xi32>
      %select_n3A_615 = arith.select %eq3A_614, %exp3A_610, %select_n3A_604 : vector<16xi1>, vector<16xf32>
      %get3A_616 = arith.constant 54 : i32
      %get3A_617 = arith.index_cast %get3A_616 : i32 to index
      %get3A_618 = arith.index_cast %mul3A_19 : i32 to index
      %get3A_619 = tpu.vector_load %arg5[%get3A_617, %get3A_618] {strides = array<i32>} : memref<81x256xf32, #tpu.memory_space<vmem>>, vector<1x16xf32>,
      %get3A_620 = vector.shape_cast %get3A_619 : vector<1x16xf32> to vector<16xf32>
      %exp3A_621 = math.exp %get3A_620 : vector<16xf32>
      %add3A_622 = arith.addf %add3A_611, %exp3A_621 : vector<16xf32>
      %eq3A_623 = arith.constant 54 : i32
      %eq3A_624 = vector.broadcast %eq3A_623 : i32 to vector<16xi32>
      %eq3A_625 = arith.cmpi eq, %get3A_21, %eq3A_624 : vector<16xi32>
      %select_n3A_626 = arith.select %eq3A_625, %exp3A_621, %select_n3A_615 : vector<16xi1>, vector<16xf32>
      %get3A_627 = arith.constant 55 : i32
      %get3A_628 = arith.index_cast %get3A_627 : i32 to index
      %get3A_629 = arith.index_cast %mul3A_19 : i32 to index
      %get3A_630 = tpu.vector_load %arg5[%get3A_628, %get3A_629] {strides = array<i32>} : memref<81x256xf32, #tpu.memory_space<vmem>>, vector<1x16xf32>,
      %get3A_631 = vector.shape_cast %get3A_630 : vector<1x16xf32> to vector<16xf32>
      %exp3A_632 = math.exp %get3A_631 : vector<16xf32>
      %add3A_633 = arith.addf %add3A_622, %exp3A_632 : vector<16xf32>
      %eq3A_634 = arith.constant 55 : i32
      %eq3A_635 = vector.broadcast %eq3A_634 : i32 to vector<16xi32>
      %eq3A_636 = arith.cmpi eq, %get3A_21, %eq3A_635 : vector<16xi32>
      %select_n3A_637 = arith.select %eq3A_636, %exp3A_632, %select_n3A_626 : vector<16xi1>, vector<16xf32>
      %get3A_638 = arith.constant 56 : i32
      %get3A_639 = arith.index_cast %get3A_638 : i32 to index
      %get3A_640 = arith.index_cast %mul3A_19 : i32 to index
      %get3A_641 = tpu.vector_load %arg5[%get3A_639, %get3A_640] {strides = array<i32>} : memref<81x256xf32, #tpu.memory_space<vmem>>, vector<1x16xf32>,
      %get3A_642 = vector.shape_cast %get3A_641 : vector<1x16xf32> to vector<16xf32>
      %exp3A_643 = math.exp %get3A_642 : vector<16xf32>
      %add3A_644 = arith.addf %add3A_633, %exp3A_643 : vector<16xf32>
      %eq3A_645 = arith.constant 56 : i32
      %eq3A_646 = vector.broadcast %eq3A_645 : i32 to vector<16xi32>
      %eq3A_647 = arith.cmpi eq, %get3A_21, %eq3A_646 : vector<16xi32>
      %select_n3A_648 = arith.select %eq3A_647, %exp3A_643, %select_n3A_637 : vector<16xi1>, vector<16xf32>
      %get3A_649 = arith.constant 57 : i32
      %get3A_650 = arith.index_cast %get3A_649 : i32 to index
      %get3A_651 = arith.index_cast %mul3A_19 : i32 to index
      %get3A_652 = tpu.vector_load %arg5[%get3A_650, %get3A_651] {strides = array<i32>} : memref<81x256xf32, #tpu.memory_space<vmem>>, vector<1x16xf32>,
      %get3A_653 = vector.shape_cast %get3A_652 : vector<1x16xf32> to vector<16xf32>
      %exp3A_654 = math.exp %get3A_653 : vector<16xf32>
      %add3A_655 = arith.addf %add3A_644, %exp3A_654 : vector<16xf32>
      %eq3A_656 = arith.constant 57 : i32
      %eq3A_657 = vector.broadcast %eq3A_656 : i32 to vector<16xi32>
      %eq3A_658 = arith.cmpi eq, %get3A_21, %eq3A_657 : vector<16xi32>
      %select_n3A_659 = arith.select %eq3A_658, %exp3A_654, %select_n3A_648 : vector<16xi1>, vector<16xf32>
      %get3A_660 = arith.constant 58 : i32
      %get3A_661 = arith.index_cast %get3A_660 : i32 to index
      %get3A_662 = arith.index_cast %mul3A_19 : i32 to index
      %get3A_663 = tpu.vector_load %arg5[%get3A_661, %get3A_662] {strides = array<i32>} : memref<81x256xf32, #tpu.memory_space<vmem>>, vector<1x16xf32>,
      %get3A_664 = vector.shape_cast %get3A_663 : vector<1x16xf32> to vector<16xf32>
      %exp3A_665 = math.exp %get3A_664 : vector<16xf32>
      %add3A_666 = arith.addf %add3A_655, %exp3A_665 : vector<16xf32>
      %eq3A_667 = arith.constant 58 : i32
      %eq3A_668 = vector.broadcast %eq3A_667 : i32 to vector<16xi32>
      %eq3A_669 = arith.cmpi eq, %get3A_21, %eq3A_668 : vector<16xi32>
      %select_n3A_670 = arith.select %eq3A_669, %exp3A_665, %select_n3A_659 : vector<16xi1>, vector<16xf32>
      %get3A_671 = arith.constant 59 : i32
      %get3A_672 = arith.index_cast %get3A_671 : i32 to index
      %get3A_673 = arith.index_cast %mul3A_19 : i32 to index
      %get3A_674 = tpu.vector_load %arg5[%get3A_672, %get3A_673] {strides = array<i32>} : memref<81x256xf32, #tpu.memory_space<vmem>>, vector<1x16xf32>,
      %get3A_675 = vector.shape_cast %get3A_674 : vector<1x16xf32> to vector<16xf32>
      %exp3A_676 = math.exp %get3A_675 : vector<16xf32>
      %add3A_677 = arith.addf %add3A_666, %exp3A_676 : vector<16xf32>
      %eq3A_678 = arith.constant 59 : i32
      %eq3A_679 = vector.broadcast %eq3A_678 : i32 to vector<16xi32>
      %eq3A_680 = arith.cmpi eq, %get3A_21, %eq3A_679 : vector<16xi32>
      %select_n3A_681 = arith.select %eq3A_680, %exp3A_676, %select_n3A_670 : vector<16xi1>, vector<16xf32>
      %get3A_682 = arith.constant 60 : i32
      %get3A_683 = arith.index_cast %get3A_682 : i32 to index
      %get3A_684 = arith.index_cast %mul3A_19 : i32 to index
      %get3A_685 = tpu.vector_load %arg5[%get3A_683, %get3A_684] {strides = array<i32>} : memref<81x256xf32, #tpu.memory_space<vmem>>, vector<1x16xf32>,
      %get3A_686 = vector.shape_cast %get3A_685 : vector<1x16xf32> to vector<16xf32>
      %exp3A_687 = math.exp %get3A_686 : vector<16xf32>
      %add3A_688 = arith.addf %add3A_677, %exp3A_687 : vector<16xf32>
      %eq3A_689 = arith.constant 60 : i32
      %eq3A_690 = vector.broadcast %eq3A_689 : i32 to vector<16xi32>
      %eq3A_691 = arith.cmpi eq, %get3A_21, %eq3A_690 : vector<16xi32>
      %select_n3A_692 = arith.select %eq3A_691, %exp3A_687, %select_n3A_681 : vector<16xi1>, vector<16xf32>
      %get3A_693 = arith.constant 61 : i32
      %get3A_694 = arith.index_cast %get3A_693 : i32 to index
      %get3A_695 = arith.index_cast %mul3A_19 : i32 to index
      %get3A_696 = tpu.vector_load %arg5[%get3A_694, %get3A_695] {strides = array<i32>} : memref<81x256xf32, #tpu.memory_space<vmem>>, vector<1x16xf32>,
      %get3A_697 = vector.shape_cast %get3A_696 : vector<1x16xf32> to vector<16xf32>
      %exp3A_698 = math.exp %get3A_697 : vector<16xf32>
      %add3A_699 = arith.addf %add3A_688, %exp3A_698 : vector<16xf32>
      %eq3A_700 = arith.constant 61 : i32
      %eq3A_701 = vector.broadcast %eq3A_700 : i32 to vector<16xi32>
      %eq3A_702 = arith.cmpi eq, %get3A_21, %eq3A_701 : vector<16xi32>
      %select_n3A_703 = arith.select %eq3A_702, %exp3A_698, %select_n3A_692 : vector<16xi1>, vector<16xf32>
      %get3A_704 = arith.constant 62 : i32
      %get3A_705 = arith.index_cast %get3A_704 : i32 to index
      %get3A_706 = arith.index_cast %mul3A_19 : i32 to index
      %get3A_707 = tpu.vector_load %arg5[%get3A_705, %get3A_706] {strides = array<i32>} : memref<81x256xf32, #tpu.memory_space<vmem>>, vector<1x16xf32>,
      %get3A_708 = vector.shape_cast %get3A_707 : vector<1x16xf32> to vector<16xf32>
      %exp3A_709 = math.exp %get3A_708 : vector<16xf32>
      %add3A_710 = arith.addf %add3A_699, %exp3A_709 : vector<16xf32>
      %eq3A_711 = arith.constant 62 : i32
      %eq3A_712 = vector.broadcast %eq3A_711 : i32 to vector<16xi32>
      %eq3A_713 = arith.cmpi eq, %get3A_21, %eq3A_712 : vector<16xi32>
      %select_n3A_714 = arith.select %eq3A_713, %exp3A_709, %select_n3A_703 : vector<16xi1>, vector<16xf32>
      %get3A_715 = arith.constant 63 : i32
      %get3A_716 = arith.index_cast %get3A_715 : i32 to index
      %get3A_717 = arith.index_cast %mul3A_19 : i32 to index
      %get3A_718 = tpu.vector_load %arg5[%get3A_716, %get3A_717] {strides = array<i32>} : memref<81x256xf32, #tpu.memory_space<vmem>>, vector<1x16xf32>,
      %get3A_719 = vector.shape_cast %get3A_718 : vector<1x16xf32> to vector<16xf32>
      %exp3A_720 = math.exp %get3A_719 : vector<16xf32>
      %add3A_721 = arith.addf %add3A_710, %exp3A_720 : vector<16xf32>
      %eq3A_722 = arith.constant 63 : i32
      %eq3A_723 = vector.broadcast %eq3A_722 : i32 to vector<16xi32>
      %eq3A_724 = arith.cmpi eq, %get3A_21, %eq3A_723 : vector<16xi32>
      %select_n3A_725 = arith.select %eq3A_724, %exp3A_720, %select_n3A_714 : vector<16xi1>, vector<16xf32>
      %get3A_726 = arith.constant 64 : i32
      %get3A_727 = arith.index_cast %get3A_726 : i32 to index
      %get3A_728 = arith.index_cast %mul3A_19 : i32 to index
      %get3A_729 = tpu.vector_load %arg5[%get3A_727, %get3A_728] {strides = array<i32>} : memref<81x256xf32, #tpu.memory_space<vmem>>, vector<1x16xf32>,
      %get3A_730 = vector.shape_cast %get3A_729 : vector<1x16xf32> to vector<16xf32>
      %exp3A_731 = math.exp %get3A_730 : vector<16xf32>
      %add3A_732 = arith.addf %add3A_721, %exp3A_731 : vector<16xf32>
      %eq3A_733 = arith.constant 64 : i32
      %eq3A_734 = vector.broadcast %eq3A_733 : i32 to vector<16xi32>
      %eq3A_735 = arith.cmpi eq, %get3A_21, %eq3A_734 : vector<16xi32>
      %select_n3A_736 = arith.select %eq3A_735, %exp3A_731, %select_n3A_725 : vector<16xi1>, vector<16xf32>
      %get3A_737 = arith.constant 65 : i32
      %get3A_738 = arith.index_cast %get3A_737 : i32 to index
      %get3A_739 = arith.index_cast %mul3A_19 : i32 to index
      %get3A_740 = tpu.vector_load %arg5[%get3A_738, %get3A_739] {strides = array<i32>} : memref<81x256xf32, #tpu.memory_space<vmem>>, vector<1x16xf32>,
      %get3A_741 = vector.shape_cast %get3A_740 : vector<1x16xf32> to vector<16xf32>
      %exp3A_742 = math.exp %get3A_741 : vector<16xf32>
      %add3A_743 = arith.addf %add3A_732, %exp3A_742 : vector<16xf32>
      %eq3A_744 = arith.constant 65 : i32
      %eq3A_745 = vector.broadcast %eq3A_744 : i32 to vector<16xi32>
      %eq3A_746 = arith.cmpi eq, %get3A_21, %eq3A_745 : vector<16xi32>
      %select_n3A_747 = arith.select %eq3A_746, %exp3A_742, %select_n3A_736 : vector<16xi1>, vector<16xf32>
      %get3A_748 = arith.constant 66 : i32
      %get3A_749 = arith.index_cast %get3A_748 : i32 to index
      %get3A_750 = arith.index_cast %mul3A_19 : i32 to index
      %get3A_751 = tpu.vector_load %arg5[%get3A_749, %get3A_750] {strides = array<i32>} : memref<81x256xf32, #tpu.memory_space<vmem>>, vector<1x16xf32>,
      %get3A_752 = vector.shape_cast %get3A_751 : vector<1x16xf32> to vector<16xf32>
      %exp3A_753 = math.exp %get3A_752 : vector<16xf32>
      %add3A_754 = arith.addf %add3A_743, %exp3A_753 : vector<16xf32>
      %eq3A_755 = arith.constant 66 : i32
      %eq3A_756 = vector.broadcast %eq3A_755 : i32 to vector<16xi32>
      %eq3A_757 = arith.cmpi eq, %get3A_21, %eq3A_756 : vector<16xi32>
      %select_n3A_758 = arith.select %eq3A_757, %exp3A_753, %select_n3A_747 : vector<16xi1>, vector<16xf32>
      %get3A_759 = arith.constant 67 : i32
      %get3A_760 = arith.index_cast %get3A_759 : i32 to index
      %get3A_761 = arith.index_cast %mul3A_19 : i32 to index
      %get3A_762 = tpu.vector_load %arg5[%get3A_760, %get3A_761] {strides = array<i32>} : memref<81x256xf32, #tpu.memory_space<vmem>>, vector<1x16xf32>,
      %get3A_763 = vector.shape_cast %get3A_762 : vector<1x16xf32> to vector<16xf32>
      %exp3A_764 = math.exp %get3A_763 : vector<16xf32>
      %add3A_765 = arith.addf %add3A_754, %exp3A_764 : vector<16xf32>
      %eq3A_766 = arith.constant 67 : i32
      %eq3A_767 = vector.broadcast %eq3A_766 : i32 to vector<16xi32>
      %eq3A_768 = arith.cmpi eq, %get3A_21, %eq3A_767 : vector<16xi32>
      %select_n3A_769 = arith.select %eq3A_768, %exp3A_764, %select_n3A_758 : vector<16xi1>, vector<16xf32>
      %get3A_770 = arith.constant 68 : i32
      %get3A_771 = arith.index_cast %get3A_770 : i32 to index
      %get3A_772 = arith.index_cast %mul3A_19 : i32 to index
      %get3A_773 = tpu.vector_load %arg5[%get3A_771, %get3A_772] {strides = array<i32>} : memref<81x256xf32, #tpu.memory_space<vmem>>, vector<1x16xf32>,
      %get3A_774 = vector.shape_cast %get3A_773 : vector<1x16xf32> to vector<16xf32>
      %exp3A_775 = math.exp %get3A_774 : vector<16xf32>
      %add3A_776 = arith.addf %add3A_765, %exp3A_775 : vector<16xf32>
      %eq3A_777 = arith.constant 68 : i32
      %eq3A_778 = vector.broadcast %eq3A_777 : i32 to vector<16xi32>
      %eq3A_779 = arith.cmpi eq, %get3A_21, %eq3A_778 : vector<16xi32>
      %select_n3A_780 = arith.select %eq3A_779, %exp3A_775, %select_n3A_769 : vector<16xi1>, vector<16xf32>
      %get3A_781 = arith.constant 69 : i32
      %get3A_782 = arith.index_cast %get3A_781 : i32 to index
      %get3A_783 = arith.index_cast %mul3A_19 : i32 to index
      %get3A_784 = tpu.vector_load %arg5[%get3A_782, %get3A_783] {strides = array<i32>} : memref<81x256xf32, #tpu.memory_space<vmem>>, vector<1x16xf32>,
      %get3A_785 = vector.shape_cast %get3A_784 : vector<1x16xf32> to vector<16xf32>
      %exp3A_786 = math.exp %get3A_785 : vector<16xf32>
      %add3A_787 = arith.addf %add3A_776, %exp3A_786 : vector<16xf32>
      %eq3A_788 = arith.constant 69 : i32
      %eq3A_789 = vector.broadcast %eq3A_788 : i32 to vector<16xi32>
      %eq3A_790 = arith.cmpi eq, %get3A_21, %eq3A_789 : vector<16xi32>
      %select_n3A_791 = arith.select %eq3A_790, %exp3A_786, %select_n3A_780 : vector<16xi1>, vector<16xf32>
      %get3A_792 = arith.constant 70 : i32
      %get3A_793 = arith.index_cast %get3A_792 : i32 to index
      %get3A_794 = arith.index_cast %mul3A_19 : i32 to index
      %get3A_795 = tpu.vector_load %arg5[%get3A_793, %get3A_794] {strides = array<i32>} : memref<81x256xf32, #tpu.memory_space<vmem>>, vector<1x16xf32>,
      %get3A_796 = vector.shape_cast %get3A_795 : vector<1x16xf32> to vector<16xf32>
      %exp3A_797 = math.exp %get3A_796 : vector<16xf32>
      %add3A_798 = arith.addf %add3A_787, %exp3A_797 : vector<16xf32>
      %eq3A_799 = arith.constant 70 : i32
      %eq3A_800 = vector.broadcast %eq3A_799 : i32 to vector<16xi32>
      %eq3A_801 = arith.cmpi eq, %get3A_21, %eq3A_800 : vector<16xi32>
      %select_n3A_802 = arith.select %eq3A_801, %exp3A_797, %select_n3A_791 : vector<16xi1>, vector<16xf32>
      %get3A_803 = arith.constant 71 : i32
      %get3A_804 = arith.index_cast %get3A_803 : i32 to index
      %get3A_805 = arith.index_cast %mul3A_19 : i32 to index
      %get3A_806 = tpu.vector_load %arg5[%get3A_804, %get3A_805] {strides = array<i32>} : memref<81x256xf32, #tpu.memory_space<vmem>>, vector<1x16xf32>,
      %get3A_807 = vector.shape_cast %get3A_806 : vector<1x16xf32> to vector<16xf32>
      %exp3A_808 = math.exp %get3A_807 : vector<16xf32>
      %add3A_809 = arith.addf %add3A_798, %exp3A_808 : vector<16xf32>
      %eq3A_810 = arith.constant 71 : i32
      %eq3A_811 = vector.broadcast %eq3A_810 : i32 to vector<16xi32>
      %eq3A_812 = arith.cmpi eq, %get3A_21, %eq3A_811 : vector<16xi32>
      %select_n3A_813 = arith.select %eq3A_812, %exp3A_808, %select_n3A_802 : vector<16xi1>, vector<16xf32>
      %get3A_814 = arith.constant 72 : i32
      %get3A_815 = arith.index_cast %get3A_814 : i32 to index
      %get3A_816 = arith.index_cast %mul3A_19 : i32 to index
      %get3A_817 = tpu.vector_load %arg5[%get3A_815, %get3A_816] {strides = array<i32>} : memref<81x256xf32, #tpu.memory_space<vmem>>, vector<1x16xf32>,
      %get3A_818 = vector.shape_cast %get3A_817 : vector<1x16xf32> to vector<16xf32>
      %exp3A_819 = math.exp %get3A_818 : vector<16xf32>
      %add3A_820 = arith.addf %add3A_809, %exp3A_819 : vector<16xf32>
      %eq3A_821 = arith.constant 72 : i32
      %eq3A_822 = vector.broadcast %eq3A_821 : i32 to vector<16xi32>
      %eq3A_823 = arith.cmpi eq, %get3A_21, %eq3A_822 : vector<16xi32>
      %select_n3A_824 = arith.select %eq3A_823, %exp3A_819, %select_n3A_813 : vector<16xi1>, vector<16xf32>
      %get3A_825 = arith.constant 73 : i32
      %get3A_826 = arith.index_cast %get3A_825 : i32 to index
      %get3A_827 = arith.index_cast %mul3A_19 : i32 to index
      %get3A_828 = tpu.vector_load %arg5[%get3A_826, %get3A_827] {strides = array<i32>} : memref<81x256xf32, #tpu.memory_space<vmem>>, vector<1x16xf32>,
      %get3A_829 = vector.shape_cast %get3A_828 : vector<1x16xf32> to vector<16xf32>
      %exp3A_830 = math.exp %get3A_829 : vector<16xf32>
      %add3A_831 = arith.addf %add3A_820, %exp3A_830 : vector<16xf32>
      %eq3A_832 = arith.constant 73 : i32
      %eq3A_833 = vector.broadcast %eq3A_832 : i32 to vector<16xi32>
      %eq3A_834 = arith.cmpi eq, %get3A_21, %eq3A_833 : vector<16xi32>
      %select_n3A_835 = arith.select %eq3A_834, %exp3A_830, %select_n3A_824 : vector<16xi1>, vector<16xf32>
      %get3A_836 = arith.constant 74 : i32
      %get3A_837 = arith.index_cast %get3A_836 : i32 to index
      %get3A_838 = arith.index_cast %mul3A_19 : i32 to index
      %get3A_839 = tpu.vector_load %arg5[%get3A_837, %get3A_838] {strides = array<i32>} : memref<81x256xf32, #tpu.memory_space<vmem>>, vector<1x16xf32>,
      %get3A_840 = vector.shape_cast %get3A_839 : vector<1x16xf32> to vector<16xf32>
      %exp3A_841 = math.exp %get3A_840 : vector<16xf32>
      %add3A_842 = arith.addf %add3A_831, %exp3A_841 : vector<16xf32>
      %eq3A_843 = arith.constant 74 : i32
      %eq3A_844 = vector.broadcast %eq3A_843 : i32 to vector<16xi32>
      %eq3A_845 = arith.cmpi eq, %get3A_21, %eq3A_844 : vector<16xi32>
      %select_n3A_846 = arith.select %eq3A_845, %exp3A_841, %select_n3A_835 : vector<16xi1>, vector<16xf32>
      %get3A_847 = arith.constant 75 : i32
      %get3A_848 = arith.index_cast %get3A_847 : i32 to index
      %get3A_849 = arith.index_cast %mul3A_19 : i32 to index
      %get3A_850 = tpu.vector_load %arg5[%get3A_848, %get3A_849] {strides = array<i32>} : memref<81x256xf32, #tpu.memory_space<vmem>>, vector<1x16xf32>,
      %get3A_851 = vector.shape_cast %get3A_850 : vector<1x16xf32> to vector<16xf32>
      %exp3A_852 = math.exp %get3A_851 : vector<16xf32>
      %add3A_853 = arith.addf %add3A_842, %exp3A_852 : vector<16xf32>
      %eq3A_854 = arith.constant 75 : i32
      %eq3A_855 = vector.broadcast %eq3A_854 : i32 to vector<16xi32>
      %eq3A_856 = arith.cmpi eq, %get3A_21, %eq3A_855 : vector<16xi32>
      %select_n3A_857 = arith.select %eq3A_856, %exp3A_852, %select_n3A_846 : vector<16xi1>, vector<16xf32>
      %get3A_858 = arith.constant 76 : i32
      %get3A_859 = arith.index_cast %get3A_858 : i32 to index
      %get3A_860 = arith.index_cast %mul3A_19 : i32 to index
      %get3A_861 = tpu.vector_load %arg5[%get3A_859, %get3A_860] {strides = array<i32>} : memref<81x256xf32, #tpu.memory_space<vmem>>, vector<1x16xf32>,
      %get3A_862 = vector.shape_cast %get3A_861 : vector<1x16xf32> to vector<16xf32>
      %exp3A_863 = math.exp %get3A_862 : vector<16xf32>
      %add3A_864 = arith.addf %add3A_853, %exp3A_863 : vector<16xf32>
      %eq3A_865 = arith.constant 76 : i32
      %eq3A_866 = vector.broadcast %eq3A_865 : i32 to vector<16xi32>
      %eq3A_867 = arith.cmpi eq, %get3A_21, %eq3A_866 : vector<16xi32>
      %select_n3A_868 = arith.select %eq3A_867, %exp3A_863, %select_n3A_857 : vector<16xi1>, vector<16xf32>
      %get3A_869 = arith.constant 77 : i32
      %get3A_870 = arith.index_cast %get3A_869 : i32 to index
      %get3A_871 = arith.index_cast %mul3A_19 : i32 to index
      %get3A_872 = tpu.vector_load %arg5[%get3A_870, %get3A_871] {strides = array<i32>} : memref<81x256xf32, #tpu.memory_space<vmem>>, vector<1x16xf32>,
      %get3A_873 = vector.shape_cast %get3A_872 : vector<1x16xf32> to vector<16xf32>
      %exp3A_874 = math.exp %get3A_873 : vector<16xf32>
      %add3A_875 = arith.addf %add3A_864, %exp3A_874 : vector<16xf32>
      %eq3A_876 = arith.constant 77 : i32
      %eq3A_877 = vector.broadcast %eq3A_876 : i32 to vector<16xi32>
      %eq3A_878 = arith.cmpi eq, %get3A_21, %eq3A_877 : vector<16xi32>
      %select_n3A_879 = arith.select %eq3A_878, %exp3A_874, %select_n3A_868 : vector<16xi1>, vector<16xf32>
      %get3A_880 = arith.constant 78 : i32
      %get3A_881 = arith.index_cast %get3A_880 : i32 to index
      %get3A_882 = arith.index_cast %mul3A_19 : i32 to index
      %get3A_883 = tpu.vector_load %arg5[%get3A_881, %get3A_882] {strides = array<i32>} : memref<81x256xf32, #tpu.memory_space<vmem>>, vector<1x16xf32>,
      %get3A_884 = vector.shape_cast %get3A_883 : vector<1x16xf32> to vector<16xf32>
      %exp3A_885 = math.exp %get3A_884 : vector<16xf32>
      %add3A_886 = arith.addf %add3A_875, %exp3A_885 : vector<16xf32>
      %eq3A_887 = arith.constant 78 : i32
      %eq3A_888 = vector.broadcast %eq3A_887 : i32 to vector<16xi32>
      %eq3A_889 = arith.cmpi eq, %get3A_21, %eq3A_888 : vector<16xi32>
      %select_n3A_890 = arith.select %eq3A_889, %exp3A_885, %select_n3A_879 : vector<16xi1>, vector<16xf32>
      %get3A_891 = arith.constant 79 : i32
      %get3A_892 = arith.index_cast %get3A_891 : i32 to index
      %get3A_893 = arith.index_cast %mul3A_19 : i32 to index
      %get3A_894 = tpu.vector_load %arg5[%get3A_892, %get3A_893] {strides = array<i32>} : memref<81x256xf32, #tpu.memory_space<vmem>>, vector<1x16xf32>,
      %get3A_895 = vector.shape_cast %get3A_894 : vector<1x16xf32> to vector<16xf32>
      %exp3A_896 = math.exp %get3A_895 : vector<16xf32>
      %add3A_897 = arith.addf %add3A_886, %exp3A_896 : vector<16xf32>
      %eq3A_898 = arith.constant 79 : i32
      %eq3A_899 = vector.broadcast %eq3A_898 : i32 to vector<16xi32>
      %eq3A_900 = arith.cmpi eq, %get3A_21, %eq3A_899 : vector<16xi32>
      %select_n3A_901 = arith.select %eq3A_900, %exp3A_896, %select_n3A_890 : vector<16xi1>, vector<16xf32>
      %get3A_902 = arith.constant 80 : i32
      %get3A_903 = arith.index_cast %get3A_902 : i32 to index
      %get3A_904 = arith.index_cast %mul3A_19 : i32 to index
      %get3A_905 = tpu.vector_load %arg5[%get3A_903, %get3A_904] {strides = array<i32>} : memref<81x256xf32, #tpu.memory_space<vmem>>, vector<1x16xf32>,
      %get3A_906 = vector.shape_cast %get3A_905 : vector<1x16xf32> to vector<16xf32>
      %exp3A_907 = math.exp %get3A_906 : vector<16xf32>
      %add3A_908 = arith.addf %add3A_897, %exp3A_907 : vector<16xf32>
      %eq3A_909 = arith.constant 80 : i32
      %eq3A_910 = vector.broadcast %eq3A_909 : i32 to vector<16xi32>
      %eq3A_911 = arith.cmpi eq, %get3A_21, %eq3A_910 : vector<16xi32>
      %select_n3A_912 = arith.select %eq3A_911, %exp3A_907, %select_n3A_901 : vector<16xi1>, vector<16xf32>
      %div3A = arith.divf %add3A_908, %select_n3A_912 : vector<16xf32>
      %swap3A = arith.index_cast %mul3A_19 : i32 to index
      %swap3A_913 = tpu.vector_load %arg7[%swap3A] {strides = array<i32>} : memref<256xf32, #tpu.memory_space<vmem>>, vector<16xf32>,
      %swap3A_914 = vector.shape_cast %swap3A_913 : vector<16xf32> to vector<16xf32>
      %swap3A_915 = vector.shape_cast %div3A : vector<16xf32> to vector<16xf32>
      tpu.vector_store %arg7[%swap3A], %swap3A_915 {strides = array<i32>} : memref<256xf32, #tpu.memory_space<vmem>>, vector<16xf32>,
      %scan3A_916 = arith.constant 0 : i32
      scf.yield %scan3A_916 : i32
    }
    %scan3A_13 = arith.constant 16 : i32
    "tpu.region"() ({
      %run_scoped3A_16 = tpu.sem_alloc : memref<!tpu.dma_semaphore, #tpu.memory_space<semaphore_mem>>
      %dma_start3A = tpu.memref_slice %arg4[%add3A_6] : memref<8192xf32, #tpu.memory_space<hbm>> -> memref<256xf32, #tpu.memory_space<hbm>>
      %dma_start3A_17 = tpu.memref_slice %arg4[%add3A_6] : memref<8192xf32, #tpu.memory_space<hbm>> -> memref<256xf32, #tpu.memory_space<hbm>>
      tpu.enqueue_dma source(%arg7 : memref<256xf32, #tpu.memory_space<vmem>>) target(%dma_start3A_17 : memref<256xf32, #tpu.memory_space<hbm>>) target_semaphore(%run_scoped3A_16 : memref<!tpu.dma_semaphore, #tpu.memory_space<semaphore_mem>>)
      %dma_wait3A = tpu.memref_slice %arg4[%add3A_6] : memref<8192xf32, #tpu.memory_space<hbm>> -> memref<256xf32, #tpu.memory_space<hbm>>
      %dma_wait3A_18 = tpu.memref_slice %arg4[%add3A_6] : memref<8192xf32, #tpu.memory_space<hbm>> -> memref<256xf32, #tpu.memory_space<hbm>>
      tpu.wait_dma2 semaphore(%run_scoped3A_16 : memref<!tpu.dma_semaphore, #tpu.memory_space<semaphore_mem>>) src(%arg7 : memref<256xf32, #tpu.memory_space<vmem>>) dst(%dma_wait3A_18 : memref<256xf32, #tpu.memory_space<hbm>>)
      tpu.yield
    }) : () -> ()
    %scan3A_14 = arith.constant 0 : i32
    %scan3A_15 = arith.constant 1 : i32
    return
  }
}

module attributes {stable_mosaic.version = 14 : i64} {
  func.func @_merge_body(%arg0: memref<16x8192xf32, #tpu.memory_space<vmem>>, %arg1: memref<64x128xf32, #tpu.memory_space<vmem>>, %arg2: memref<1x1xf32, #tpu.memory_space<smem>>) attributes {dimension_semantics = [], scalar_prefetch = 0 : i64, scratch_operands = 0 : i64, tpu.core_type = #tpu.core_type<tc>} {
    %get3A = arith.constant 0 : index
    %get3A_0 = arith.constant 0 : index
    %get3A_1 = vector.load %arg0[%get3A, %get3A_0] : memref<16x8192xf32, #tpu.memory_space<vmem>>, vector<16x8192xf32>
    %max3A = arith.constant 1.000000e+00 : f32
    %max3A_2 = vector.broadcast %max3A : f32 to vector<16x8192xf32>
    %max3A_3 = arith.maximumf %get3A_1, %max3A_2 : vector<16x8192xf32>
    %get3A_4 = arith.constant 0 : index
    %get3A_5 = arith.constant 0 : index
    %get3A_6 = vector.load %arg1[%get3A_4, %get3A_5] : memref<64x128xf32, #tpu.memory_space<vmem>>, vector<64x128xf32>
    %max3A_7 = arith.constant 1.000000e+00 : f32
    %max3A_8 = vector.broadcast %max3A_7 : f32 to vector<64x128xf32>
    %max3A_9 = arith.maximumf %get3A_6, %max3A_8 : vector<64x128xf32>
    %bitcast_convert_type3A = tpu.bitcast %max3A_3 : vector<16x8192xf32> -> vector<16x8192xi32>
    %bitcast_convert_type3A_10 = tpu.bitcast %max3A_9 : vector<64x128xf32> -> vector<64x128xi32>
    %scan3A = arith.constant 0 : i32
    %scan3A_11 = arith.constant 2139095041 : i32
    %scan3A_12 = arith.constant 0 : i32
    %scan3A_13 = arith.constant 31 : i32
    %scan3A_14 = arith.addi %scan3A_12, %scan3A_13 : i32
    %scan3A_15 = arith.constant 1 : i32
    %scan3A_16:2 = scf.for %scan3A_86 = %scan3A_12 to %scan3A_14 step %scan3A_15 iter_args(%scan3A_87 = %scan3A, %scan3A_88 = %scan3A_11) -> (i32, i32)  : i32 {
      %sub3A_89 = arith.subi %scan3A_88, %scan3A_87 : i32
      %shift_right_arithmetic3A = arith.constant 1 : i32
      %shift_right_arithmetic3A_90 = arith.shrsi %sub3A_89, %shift_right_arithmetic3A : i32
      %add3A_91 = arith.addi %scan3A_87, %shift_right_arithmetic3A_90 : i32
      %ge3A = vector.broadcast %add3A_91 : i32 to vector<16x8192xi32>
      %ge3A_92 = arith.cmpi sge, %bitcast_convert_type3A, %ge3A : vector<16x8192xi32>
      %convert_element_type3A_93 = arith.extui %ge3A_92 : vector<16x8192xi1> to vector<16x8192xi32>
      %reduce_sum3A_94 = vector.shape_cast %convert_element_type3A_93 : vector<16x8192xi32> to vector<1x16x8192xi32>
      %reduce_sum3A_95 = arith.constant dense<0> : vector<1xi32>
      %reduce_sum3A_96 = vector.multi_reduction <add>, %reduce_sum3A_94, %reduce_sum3A_95 [1, 2] : vector<1x16x8192xi32> to vector<1xi32>
      %reduce_sum3A_97 = vector.shape_cast %reduce_sum3A_96 : vector<1xi32> to vector<1x1x1xi32>
      %reduce_sum3A_98 = vector.extract %reduce_sum3A_97[0, 0, 0] : i32 from vector<1x1x1xi32>
      %ge3A_99 = vector.broadcast %add3A_91 : i32 to vector<64x128xi32>
      %ge3A_100 = arith.cmpi sge, %bitcast_convert_type3A_10, %ge3A_99 : vector<64x128xi32>
      %convert_element_type3A_101 = arith.extui %ge3A_100 : vector<64x128xi1> to vector<64x128xi32>
      %reduce_sum3A_102 = vector.shape_cast %convert_element_type3A_101 : vector<64x128xi32> to vector<1x64x128xi32>
      %reduce_sum3A_103 = arith.constant dense<0> : vector<1xi32>
      %reduce_sum3A_104 = vector.multi_reduction <add>, %reduce_sum3A_102, %reduce_sum3A_103 [1, 2] : vector<1x64x128xi32> to vector<1xi32>
      %reduce_sum3A_105 = vector.shape_cast %reduce_sum3A_104 : vector<1xi32> to vector<1x1x1xi32>
      %reduce_sum3A_106 = vector.extract %reduce_sum3A_105[0, 0, 0] : i32 from vector<1x1x1xi32>
      %add3A_107 = arith.addi %reduce_sum3A_98, %reduce_sum3A_106 : i32
      %ge3A_108 = arith.constant 256 : i32
      %ge3A_109 = arith.cmpi sge, %add3A_107, %ge3A_108 : i32
      %select_n3A_110 = arith.select %ge3A_109, %add3A_91, %scan3A_87 : i32
      %select_n3A_111 = arith.select %ge3A_109, %scan3A_88, %add3A_91 : i32
      scf.yield %select_n3A_110, %select_n3A_111 : i32, i32
    }
    %log3A = math.log %max3A_3 : vector<16x8192xf32>
    %log3A_17 = math.log %max3A_9 : vector<64x128xf32>
    %gt3A = vector.broadcast %scan3A_16#0 : i32 to vector<16x8192xi32>
    %gt3A_18 = arith.cmpi sgt, %bitcast_convert_type3A, %gt3A : vector<16x8192xi32>
    %gt3A_19 = vector.broadcast %scan3A_16#0 : i32 to vector<64x128xi32>
    %gt3A_20 = arith.cmpi sgt, %bitcast_convert_type3A_10, %gt3A_19 : vector<64x128xi32>
    %eq3A = vector.broadcast %scan3A_16#0 : i32 to vector<16x8192xi32>
    %eq3A_21 = arith.cmpi eq, %bitcast_convert_type3A, %eq3A : vector<16x8192xi32>
    %eq3A_22 = vector.broadcast %scan3A_16#0 : i32 to vector<64x128xi32>
    %eq3A_23 = arith.cmpi eq, %bitcast_convert_type3A_10, %eq3A_22 : vector<64x128xi32>
    %convert_element_type3A = arith.extui %gt3A_18 : vector<16x8192xi1> to vector<16x8192xi32>
    %reduce_sum3A = vector.shape_cast %convert_element_type3A : vector<16x8192xi32> to vector<1x16x8192xi32>
    %reduce_sum3A_24 = arith.constant dense<0> : vector<1xi32>
    %reduce_sum3A_25 = vector.multi_reduction <add>, %reduce_sum3A, %reduce_sum3A_24 [1, 2] : vector<1x16x8192xi32> to vector<1xi32>
    %reduce_sum3A_26 = vector.shape_cast %reduce_sum3A_25 : vector<1xi32> to vector<1x1x1xi32>
    %reduce_sum3A_27 = vector.extract %reduce_sum3A_26[0, 0, 0] : i32 from vector<1x1x1xi32>
    %convert_element_type3A_28 = arith.extui %gt3A_20 : vector<64x128xi1> to vector<64x128xi32>
    %reduce_sum3A_29 = vector.shape_cast %convert_element_type3A_28 : vector<64x128xi32> to vector<1x64x128xi32>
    %reduce_sum3A_30 = arith.constant dense<0> : vector<1xi32>
    %reduce_sum3A_31 = vector.multi_reduction <add>, %reduce_sum3A_29, %reduce_sum3A_30 [1, 2] : vector<1x64x128xi32> to vector<1xi32>
    %reduce_sum3A_32 = vector.shape_cast %reduce_sum3A_31 : vector<1xi32> to vector<1x1x1xi32>
    %reduce_sum3A_33 = vector.extract %reduce_sum3A_32[0, 0, 0] : i32 from vector<1x1x1xi32>
    %add3A = arith.addi %reduce_sum3A_27, %reduce_sum3A_33 : i32
    %convert_element_type3A_34 = arith.sitofp %add3A : i32 to f32
    %convert_element_type3A_35 = arith.extui %eq3A_21 : vector<16x8192xi1> to vector<16x8192xi32>
    %reduce_sum3A_36 = vector.shape_cast %convert_element_type3A_35 : vector<16x8192xi32> to vector<1x16x8192xi32>
    %reduce_sum3A_37 = arith.constant dense<0> : vector<1xi32>
    %reduce_sum3A_38 = vector.multi_reduction <add>, %reduce_sum3A_36, %reduce_sum3A_37 [1, 2] : vector<1x16x8192xi32> to vector<1xi32>
    %reduce_sum3A_39 = vector.shape_cast %reduce_sum3A_38 : vector<1xi32> to vector<1x1x1xi32>
    %reduce_sum3A_40 = vector.extract %reduce_sum3A_39[0, 0, 0] : i32 from vector<1x1x1xi32>
    %convert_element_type3A_41 = arith.extui %eq3A_23 : vector<64x128xi1> to vector<64x128xi32>
    %reduce_sum3A_42 = vector.shape_cast %convert_element_type3A_41 : vector<64x128xi32> to vector<1x64x128xi32>
    %reduce_sum3A_43 = arith.constant dense<0> : vector<1xi32>
    %reduce_sum3A_44 = vector.multi_reduction <add>, %reduce_sum3A_42, %reduce_sum3A_43 [1, 2] : vector<1x64x128xi32> to vector<1xi32>
    %reduce_sum3A_45 = vector.shape_cast %reduce_sum3A_44 : vector<1xi32> to vector<1x1x1xi32>
    %reduce_sum3A_46 = vector.extract %reduce_sum3A_45[0, 0, 0] : i32 from vector<1x1x1xi32>
    %add3A_47 = arith.addi %reduce_sum3A_40, %reduce_sum3A_46 : i32
    %convert_element_type3A_48 = arith.sitofp %add3A_47 : i32 to f32
    %jit3A = arith.constant 0.000000e+00 : f32
    %broadcast_in_dim3A = vector.broadcast %jit3A : f32 to vector<16x8192xf32>
    %select_n3A = arith.select %gt3A_18, %log3A, %broadcast_in_dim3A : vector<16x8192xi1>, vector<16x8192xf32>
    %reduce_sum3A_49 = vector.shape_cast %select_n3A : vector<16x8192xf32> to vector<1x16x8192xf32>
    %reduce_sum3A_50 = arith.constant dense<0.000000e+00> : vector<1xf32>
    %reduce_sum3A_51 = vector.multi_reduction <add>, %reduce_sum3A_49, %reduce_sum3A_50 [1, 2] : vector<1x16x8192xf32> to vector<1xf32>
    %reduce_sum3A_52 = vector.shape_cast %reduce_sum3A_51 : vector<1xf32> to vector<1x1x1xf32>
    %reduce_sum3A_53 = vector.extract %reduce_sum3A_52[0, 0, 0] : f32 from vector<1x1x1xf32>
    %jit3A_54 = arith.constant 0.000000e+00 : f32
    %broadcast_in_dim3A_55 = vector.broadcast %jit3A_54 : f32 to vector<64x128xf32>
    %select_n3A_56 = arith.select %gt3A_20, %log3A_17, %broadcast_in_dim3A_55 : vector<64x128xi1>, vector<64x128xf32>
    %reduce_sum3A_57 = vector.shape_cast %select_n3A_56 : vector<64x128xf32> to vector<1x64x128xf32>
    %reduce_sum3A_58 = arith.constant dense<0.000000e+00> : vector<1xf32>
    %reduce_sum3A_59 = vector.multi_reduction <add>, %reduce_sum3A_57, %reduce_sum3A_58 [1, 2] : vector<1x64x128xf32> to vector<1xf32>
    %reduce_sum3A_60 = vector.shape_cast %reduce_sum3A_59 : vector<1xf32> to vector<1x1x1xf32>
    %reduce_sum3A_61 = vector.extract %reduce_sum3A_60[0, 0, 0] : f32 from vector<1x1x1xf32>
    %add3A_62 = arith.addf %reduce_sum3A_53, %reduce_sum3A_61 : f32
    %jit3A_63 = arith.constant 0.000000e+00 : f32
    %broadcast_in_dim3A_64 = vector.broadcast %jit3A_63 : f32 to vector<16x8192xf32>
    %select_n3A_65 = arith.select %eq3A_21, %log3A, %broadcast_in_dim3A_64 : vector<16x8192xi1>, vector<16x8192xf32>
    %reduce_sum3A_66 = vector.shape_cast %select_n3A_65 : vector<16x8192xf32> to vector<1x16x8192xf32>
    %reduce_sum3A_67 = arith.constant dense<0.000000e+00> : vector<1xf32>
    %reduce_sum3A_68 = vector.multi_reduction <add>, %reduce_sum3A_66, %reduce_sum3A_67 [1, 2] : vector<1x16x8192xf32> to vector<1xf32>
    %reduce_sum3A_69 = vector.shape_cast %reduce_sum3A_68 : vector<1xf32> to vector<1x1x1xf32>
    %reduce_sum3A_70 = vector.extract %reduce_sum3A_69[0, 0, 0] : f32 from vector<1x1x1xf32>
    %jit3A_71 = arith.constant 0.000000e+00 : f32
    %broadcast_in_dim3A_72 = vector.broadcast %jit3A_71 : f32 to vector<64x128xf32>
    %select_n3A_73 = arith.select %eq3A_23, %log3A_17, %broadcast_in_dim3A_72 : vector<64x128xi1>, vector<64x128xf32>
    %reduce_sum3A_74 = vector.shape_cast %select_n3A_73 : vector<64x128xf32> to vector<1x64x128xf32>
    %reduce_sum3A_75 = arith.constant dense<0.000000e+00> : vector<1xf32>
    %reduce_sum3A_76 = vector.multi_reduction <add>, %reduce_sum3A_74, %reduce_sum3A_75 [1, 2] : vector<1x64x128xf32> to vector<1xf32>
    %reduce_sum3A_77 = vector.shape_cast %reduce_sum3A_76 : vector<1xf32> to vector<1x1x1xf32>
    %reduce_sum3A_78 = vector.extract %reduce_sum3A_77[0, 0, 0] : f32 from vector<1x1x1xf32>
    %add3A_79 = arith.addf %reduce_sum3A_70, %reduce_sum3A_78 : f32
    %sub3A = arith.constant 2.560000e+02 : f32
    %sub3A_80 = arith.subf %sub3A, %convert_element_type3A_34 : f32
    %div3A = arith.divf %add3A_79, %convert_element_type3A_48 : f32
    %mul3A = arith.mulf %sub3A_80, %div3A : f32
    %add3A_81 = arith.addf %add3A_62, %mul3A : f32
    %div3A_82 = arith.constant 2.560000e+02 : f32
    %div3A_83 = arith.divf %add3A_81, %div3A_82 : f32
    %swap3A = arith.constant 0 : index
    %swap3A_84 = arith.constant 0 : index
    %swap3A_85 = memref.load %arg2[%swap3A, %swap3A_84] : memref<1x1xf32, #tpu.memory_space<smem>>
    memref.store %div3A_83, %arg2[%swap3A, %swap3A_84] : memref<1x1xf32, #tpu.memory_space<smem>>
    return
  }
}

module attributes {stable_mosaic.version = 14 : i64} {
  func.func @_tc_body(%arg0: i32, %arg1: memref<81x8192xf32, #tpu.memory_space<vmem>>, %arg2: memref<1x8192xi32, #tpu.memory_space<vmem>>, %arg3: memref<16x8192xf32, #tpu.memory_space<vmem>>, %arg4: memref<120x8192xf32, #tpu.memory_space<vmem>>) attributes {dimension_semantics = [#tpu.dimension_semantics<arbitrary>], iteration_bounds = array<i64: 15>, scalar_prefetch = 0 : i64, scratch_operands = 1 : i64, tpu.core_type = #tpu.core_type<tc>, window_params = [{transform_indices = @transform_0, window_bounds = array<i64: 81, 8192>}, {transform_indices = @transform_1, window_bounds = array<i64: 1, 8192>}, {pipeline_mode = #tpu.pipeline_mode<synchronous>, transform_indices = @transform_2, window_bounds = array<i64: 16, 8192>}]} {
    %get3A = arith.constant 0 : index
    %get3A_0 = arith.constant 0 : index
    %get3A_1 = vector.load %arg1[%get3A, %get3A_0] : memref<81x8192xf32, #tpu.memory_space<vmem>>, vector<81x8192xf32>
    %exp3A = math.exp %get3A_1 : vector<81x8192xf32>
    %iota3A = tpu.iota {dimensions = array<i32: 0>} : vector<81x8192xi32>
    %get3A_2 = arith.constant 0 : index
    %get3A_3 = arith.constant 0 : index
    %get3A_4 = vector.load %arg2[%get3A_2, %get3A_3] : memref<1x8192xi32, #tpu.memory_space<vmem>>, vector<1x8192xi32>
    %eq3A = vector.broadcast %get3A_4 : vector<1x8192xi32> to vector<81x8192xi32>
    %eq3A_5 = arith.cmpi eq, %iota3A, %eq3A : vector<81x8192xi32>
    %jit3A = arith.constant 0.000000e+00 : f32
    %broadcast_in_dim3A = vector.broadcast %jit3A : f32 to vector<81x8192xf32>
    %select_n3A = arith.select %eq3A_5, %exp3A, %broadcast_in_dim3A : vector<81x8192xi1>, vector<81x8192xf32>
    %broadcast_in_dim3A_6 = arith.constant 1.000000e+00 : f32
    %broadcast_in_dim3A_7 = vector.broadcast %broadcast_in_dim3A_6 : f32 to vector<1x81xf32>
    %dot_general3A = arith.constant dense<0.000000e+00> : vector<1x8192xf32>
    %dot_general3A_8 = tpu.matmul %broadcast_in_dim3A_7, %exp3A, %dot_general3A {dimension_numbers = #tpu.dot_dimension_numbers<[1], [0], [0], [1], [0, 0, 1, 1], [], []>, transpose_lhs_hint = false} : vector<1x81xf32>, vector<81x8192xf32>, vector<1x8192xf32> -> vector<1x8192xf32>
    %dot_general3A_9 = arith.constant dense<0.000000e+00> : vector<1x8192xf32>
    %dot_general3A_10 = tpu.matmul %broadcast_in_dim3A_7, %select_n3A, %dot_general3A_9 {dimension_numbers = #tpu.dot_dimension_numbers<[1], [0], [0], [1], [0, 0, 1, 1], [], []>, transpose_lhs_hint = false} : vector<1x81xf32>, vector<81x8192xf32>, vector<1x8192xf32> -> vector<1x8192xf32>
    %mul3A = arith.constant 8 : i32
    %mul3A_11 = arith.muli %arg0, %mul3A : i32
    %multiple_of3A = tpu.assume_multiple %mul3A_11, 8 : i32
    %div3A = arith.divf %dot_general3A_8, %dot_general3A_10 : vector<1x8192xf32>
    %swap3A = arith.index_cast %multiple_of3A : i32 to index
    %swap3A_12 = arith.constant 0 : index
    %swap3A_13 = vector.load %arg4[%swap3A, %swap3A_12] : memref<120x8192xf32, #tpu.memory_space<vmem>>, vector<1x8192xf32>
    tpu.vector_store %arg4[%swap3A, %swap3A_12], %div3A {strides = array<i32>} : memref<120x8192xf32, #tpu.memory_space<vmem>>, vector<1x8192xf32>,
    %eq3A_14 = arith.constant 14 : i32
    %eq3A_15 = arith.cmpi eq, %arg0, %eq3A_14 : i32
    %convert_element_type3A = arith.extui %eq3A_15 : i1 to i32
    %cond3A = arith.constant 0 : i32
    %cond3A_16 = arith.cmpi ne, %convert_element_type3A, %cond3A : i32
    scf.if %cond3A_16 {
      %get3A_17 = arith.constant 0 : index
      %get3A_18 = arith.constant 0 : index
      %get3A_19 = vector.load %arg4[%get3A_17, %get3A_18] : memref<120x8192xf32, #tpu.memory_space<vmem>>, vector<1x8192xf32>
      %get3A_20 = arith.constant 8 : index
      %get3A_21 = arith.constant 0 : index
      %get3A_22 = vector.load %arg4[%get3A_20, %get3A_21] : memref<120x8192xf32, #tpu.memory_space<vmem>>, vector<1x8192xf32>
      %get3A_23 = arith.constant 16 : index
      %get3A_24 = arith.constant 0 : index
      %get3A_25 = vector.load %arg4[%get3A_23, %get3A_24] : memref<120x8192xf32, #tpu.memory_space<vmem>>, vector<1x8192xf32>
      %get3A_26 = arith.constant 24 : index
      %get3A_27 = arith.constant 0 : index
      %get3A_28 = vector.load %arg4[%get3A_26, %get3A_27] : memref<120x8192xf32, #tpu.memory_space<vmem>>, vector<1x8192xf32>
      %get3A_29 = arith.constant 32 : index
      %get3A_30 = arith.constant 0 : index
      %get3A_31 = vector.load %arg4[%get3A_29, %get3A_30] : memref<120x8192xf32, #tpu.memory_space<vmem>>, vector<1x8192xf32>
      %get3A_32 = arith.constant 40 : index
      %get3A_33 = arith.constant 0 : index
      %get3A_34 = vector.load %arg4[%get3A_32, %get3A_33] : memref<120x8192xf32, #tpu.memory_space<vmem>>, vector<1x8192xf32>
      %get3A_35 = arith.constant 48 : index
      %get3A_36 = arith.constant 0 : index
      %get3A_37 = vector.load %arg4[%get3A_35, %get3A_36] : memref<120x8192xf32, #tpu.memory_space<vmem>>, vector<1x8192xf32>
      %get3A_38 = arith.constant 56 : index
      %get3A_39 = arith.constant 0 : index
      %get3A_40 = vector.load %arg4[%get3A_38, %get3A_39] : memref<120x8192xf32, #tpu.memory_space<vmem>>, vector<1x8192xf32>
      %get3A_41 = arith.constant 64 : index
      %get3A_42 = arith.constant 0 : index
      %get3A_43 = vector.load %arg4[%get3A_41, %get3A_42] : memref<120x8192xf32, #tpu.memory_space<vmem>>, vector<1x8192xf32>
      %get3A_44 = arith.constant 72 : index
      %get3A_45 = arith.constant 0 : index
      %get3A_46 = vector.load %arg4[%get3A_44, %get3A_45] : memref<120x8192xf32, #tpu.memory_space<vmem>>, vector<1x8192xf32>
      %get3A_47 = arith.constant 80 : index
      %get3A_48 = arith.constant 0 : index
      %get3A_49 = vector.load %arg4[%get3A_47, %get3A_48] : memref<120x8192xf32, #tpu.memory_space<vmem>>, vector<1x8192xf32>
      %get3A_50 = arith.constant 88 : index
      %get3A_51 = arith.constant 0 : index
      %get3A_52 = vector.load %arg4[%get3A_50, %get3A_51] : memref<120x8192xf32, #tpu.memory_space<vmem>>, vector<1x8192xf32>
      %get3A_53 = arith.constant 96 : index
      %get3A_54 = arith.constant 0 : index
      %get3A_55 = vector.load %arg4[%get3A_53, %get3A_54] : memref<120x8192xf32, #tpu.memory_space<vmem>>, vector<1x8192xf32>
      %get3A_56 = arith.constant 104 : index
      %get3A_57 = arith.constant 0 : index
      %get3A_58 = vector.load %arg4[%get3A_56, %get3A_57] : memref<120x8192xf32, #tpu.memory_space<vmem>>, vector<1x8192xf32>
      %get3A_59 = arith.constant 112 : index
      %get3A_60 = arith.constant 0 : index
      %get3A_61 = vector.load %arg4[%get3A_59, %get3A_60] : memref<120x8192xf32, #tpu.memory_space<vmem>>, vector<1x8192xf32>
      %broadcast_in_dim3A_62 = arith.constant 1.000000e+00 : f32
      %broadcast_in_dim3A_63 = vector.broadcast %broadcast_in_dim3A_62 : f32 to vector<1x8192xf32>
      %concatenate3A = tpu.concatenate %get3A_19, %get3A_22, %get3A_25, %get3A_28, %get3A_31, %get3A_34, %get3A_37, %get3A_40, %get3A_43, %get3A_46, %get3A_49, %get3A_52, %get3A_55, %get3A_58, %get3A_61, %broadcast_in_dim3A_63 in 0 : vector<1x8192xf32>, vector<1x8192xf32>, vector<1x8192xf32>, vector<1x8192xf32>, vector<1x8192xf32>, vector<1x8192xf32>, vector<1x8192xf32>, vector<1x8192xf32>, vector<1x8192xf32>, vector<1x8192xf32>, vector<1x8192xf32>, vector<1x8192xf32>, vector<1x8192xf32>, vector<1x8192xf32>, vector<1x8192xf32>, vector<1x8192xf32> -> vector<16x8192xf32>
      %swap3A_64 = arith.constant 0 : index
      %swap3A_65 = arith.constant 0 : index
      %swap3A_66 = vector.load %arg3[%swap3A_64, %swap3A_65] : memref<16x8192xf32, #tpu.memory_space<vmem>>, vector<16x8192xf32>
      tpu.vector_store %arg3[%swap3A_64, %swap3A_65], %concatenate3A {strides = array<i32>} : memref<16x8192xf32, #tpu.memory_space<vmem>>, vector<16x8192xf32>,
    } else {
    }
    return
  }
  func.func @transform_0(%arg0: i32) -> (i32, i32) {
    %add3A = arith.constant 1 : i32
    %add3A_0 = arith.addi %arg0, %add3A : i32
    %c0_i32 = arith.constant 0 : i32
    %c0_i32_1 = arith.constant 0 : i32
    return %c0_i32, %add3A_0 : i32, i32
  }
  func.func @transform_1(%arg0: i32) -> (i32, i32) {
    %add3A = arith.constant 1 : i32
    %add3A_0 = arith.addi %arg0, %add3A : i32
    %c0_i32 = arith.constant 0 : i32
    %c0_i32_1 = arith.constant 0 : i32
    return %c0_i32, %add3A_0 : i32, i32
  }
  func.func @transform_2(%arg0: i32) -> (i32, i32) {
    %c0_i32 = arith.constant 0 : i32
    %c0_i32_0 = arith.constant 0 : i32
    %c0_i32_1 = arith.constant 0 : i32
    return %c0_i32, %c0_i32_0 : i32, i32
  }
}

</mosaic_0001>

<sc_bundles>
// kernel: kernel.5.cloned.1.call-start
scs
__scs_entry_jumppad:
0x0: {  	(pc) =	sbr.rel $0x88, $3  }
0x1: {  	(tag) =	ssettag $0x0;
	lr =	simm.s32 $0x1  }
0x2: {  	[smem:$0x3F9F] =	sst lr;
	_ =	strace $0xD0000000  }
0x3: {  	_ = 	snop  }
0x4: {  	_ = 	snop  }
0x5: {  	_ = 	snop  }
0x6: {  	_ = 	snop  }
0x7: {  	_ = 	snop  }
__scs_overlays_trampoline_lowered:
0x8: {  	[smem:$0x3FAE] =	sst s0  }
0x9: {  	[smem:$0x3FAF] =	sst s1  }
0xa: {  	[smem:$0x3FB0] =	sst s2  }
0xb: {  	[smem:$0x3FB1] =	sst s3  }
0xc: {  	[smem:$0x3FB2] =	sst s4  }
0xd: {  	[smem:$0x3FB3] =	sst s5  }
0xe: {  	[smem:$0x3FB4] =	sst s6  }
0xf: {  	[smem:$0x3FB5] =	sst s7  }
0x10: {  	[smem:$0x3FB6] =	sst s8  }
0x11: {  	[smem:$0x3FB7] =	sst s9;
	s0 =	simm.s32 @!p0 $0x0  }
0x12: {  	s1 =	sld [smem:$0x3F9D];
	s0 =	simm.s32 @p0 $0x1  }
0x13: {  	[smem:$0x3FB8] =	sst s0;
	s0 =	simm.s32 @!p1 $0x0  }
0x14: {  	s2 =	sld [smem:$0x3F9C];
	s0 =	simm.s32 @p1 $0x1  }
0x15: {  	[smem:$0x3FB9] =	sst s0;
	s0 =	simm.s32 @!p2 $0x0  }
0x16: {  	s3 =	sld [smem:$0x3FDB];
	s0 =	simm.s32 @p2 $0x1  }
0x17: {  	s4 =	simm.s32 $0x1BF5;
	[smem:$0x3FBB] =	sst s0  }
0x18: {  	s0 =	sld [smem:$0x3F9E];
	_ =	swait.ge [sflag:s4], $0x0  }
0x19: {  	s7 =	sld [smem:$0x3F9F]  }
0x1a: {  	s8 =	sadd.s32 $0xFFFFE003, lr  }
0x1b: {  	s9 =	sadd.s32 $0xFFFFFEF7, lr;
	s5 =	simm.s32 $0xFFFFFFFF;
	p2 =	slt.u32 s8, $0xFFFFF086  }
0x1c: {  	p1 =	slt.u32 s9, $0xF7A;
	s5 =	simm.s32 @!p2 $0x0  }
0x1d: {  	s5 =	simm.s32 @p1 $0x1;
	p0 =	seq.s32 s7, s2  }
0x1e: {  	s7 =	smul.u32 @!p0 $0xF7A, s2;
	p2 =	seq.s32 @!p0 s5, $0x0  }
0x1f: {  	s9 =	smul.u32 $0xF7A, s1;
	s8 =	simm.s32 @!p0 $0x1BF5;
	p2 =	por !p2, p0  }
0x20: {  	[sflag:s8] =	ssyncset.s32 @!p0 $0xFFFFF086;
	s6 =	sadd.s32 @!p0 s3, s7;
	s7 =	simm.s32 @!p0 $0x108  }
0x21: {  	s3 =	sadd.s32 s3, s9;
	s6 =	sadd.s32 @!p0 $0x88, s6;
	s7 =	simm.s32 @p2 $0x1082  }
0x22: {  	[simem:s7], [sflag:s8] =	dma.local @!p0 [hbm:s6], $0xF7A  }
0x23: {  	s9 =	sor.u32 $0xD0000000, s2;
	s6 =	simm.s32 $0x108;
	_ =	swait.ge @!p0 [sflag:s8], $0x0  }
0x24: {  	s3 =	sadd.s32 $0x88, s3;
	s6 =	simm.s32 @!p1 $0x1082;
	[sflag:s4] =	ssyncset.s32 $0xFFFFF086  }
0x25: {  	[simem:s6], [sflag:s4] =	dma.local [hbm:s3], $0xF7A  }
0x26: {  	[smem:$0x3F9F] =	sst s1;
	(tag) =	ssettag s2;
	_ =	strace s9  }
0x27: {  	s1 =	sld [smem:$0x3FAF]  }
0x28: {  	s2 =	sld [smem:$0x3FB0]  }
0x29: {  	s4 =	sld [smem:$0x3FB2]  }
0x2a: {  	p0 =	seq.s32 s5, $0x0;
	s5 =	sld [smem:$0x3FB3]  }
0x2b: {  	s6 =	sld [smem:$0x3FB4]  }
0x2c: {  	s7 =	sld [smem:$0x3FB5]  }
0x2d: {  	s3 =	simm.s32 $0x108;
	s8 =	sld [smem:$0x3FB6]  }
0x2e: {  	s3 =	simm.s32 @!p0 $0x1082;
	s9 =	sld [smem:$0x3FB7]  }
0x2f: {  	lr =	sadd.s32 s0, s3;
	s0 =	sld [smem:$0x3FAE]  }
0x30: {  	s3 =	sld [smem:$0x3FB1]  }
0x31: {  	[smem:$0x3FBA] =	sst s10  }
0x32: {  	s10 =	sld [smem:$0x3FB8];
	_ =	sdelay $0x3  }
0x33: {  	p0 =	seq.s32 s10, $0x1;
	s10 =	sld [smem:$0x3FBA];
	_ =	sdelay $0x3  }
0x34: {  	[smem:$0x3FBA] =	sst s10  }
0x35: {  	s10 =	sld [smem:$0x3FB9];
	_ =	sdelay $0x3  }
0x36: {  	p1 =	seq.s32 s10, $0x1;
	s10 =	sld [smem:$0x3FBA];
	_ =	sdelay $0x3  }
0x37: {  	[smem:$0x3FBA] =	sst s10  }
0x38: {  	s10 =	sld [smem:$0x3FBB]  }
0x39: {  	_ = 	snop;
	(pc) =	sbr.ind lr, $3  }
0x3a: {  	_ = 	snop  }
0x3b: {  	_ = 	snop  }
0x3c: {  	p2 =	seq.s32 s10, $0x1;
	s10 =	sld [smem:$0x3FBA]  }
0x3d: {  	_ =	shalt  }
0x3e: {  	_ =	shalt  }
0x3f: {  	_ =	shalt  }
0x40: {  	_ =	shalt  }
0x41: {  	_ =	shalt  }
0x42: {  	_ =	shalt  }
0x43: {  	_ =	shalt  }
0x44: {  	_ =	shalt  }
0x45: {  	_ =	shalt  }
0x46: {  	_ =	shalt  }
0x47: {  	_ =	shalt  }
0x48: {  	_ =	shalt  }
0x49: {  	_ =	shalt  }
0x4a: {  	_ =	shalt  }
0x4b: {  	_ =	shalt  }
0x4c: {  	_ =	shalt  }
0x4d: {  	_ =	shalt  }
0x4e: {  	_ =	shalt  }
0x4f: {  	_ =	shalt  }
0x50: {  	_ =	shalt  }
0x51: {  	_ =	shalt  }
0x52: {  	_ =	shalt  }
0x53: {  	_ =	shalt  }
0x54: {  	_ =	shalt  }
0x55: {  	_ =	shalt  }
0x56: {  	_ =	shalt  }
0x57: {  	_ =	shalt  }
0x58: {  	_ =	shalt  }
0x59: {  	_ =	shalt  }
0x5a: {  	_ =	shalt  }
0x5b: {  	_ =	shalt  }
0x5c: {  	_ =	shalt  }
0x5d: {  	_ =	shalt  }
0x5e: {  	_ =	shalt  }
0x5f: {  	_ =	shalt  }
0x60: {  	_ =	shalt  }
0x61: {  	_ =	shalt  }
0x62: {  	_ =	shalt  }
0x63: {  	_ =	shalt  }
0x64: {  	_ =	shalt  }
0x65: {  	_ =	shalt  }
0x66: {  	_ =	shalt  }
0x67: {  	_ =	shalt  }
0x68: {  	_ =	shalt  }
0x69: {  	_ =	shalt  }
0x6a: {  	_ =	shalt  }
0x6b: {  	_ =	shalt  }
0x6c: {  	_ =	shalt  }
0x6d: {  	_ =	shalt  }
0x6e: {  	_ =	shalt  }
0x6f: {  	_ =	shalt  }
0x70: {  	_ =	shalt  }
0x71: {  	_ =	shalt  }
0x72: {  	_ =	shalt  }
0x73: {  	_ =	shalt  }
0x74: {  	_ =	shalt  }
0x75: {  	_ =	shalt  }
0x76: {  	_ =	shalt  }
0x77: {  	_ =	shalt  }
0x78: {  	_ =	shalt  }
0x79: {  	_ =	shalt  }
0x7a: {  	_ =	shalt  }
0x7b: {  	_ =	shalt  }
0x7c: {  	_ =	shalt  }
0x7d: {  	_ =	shalt  }
0x7e: {  	_ =	shalt  }
0x7f: {  	_ =	shalt  }
0x80: {  	_ =	shalt  }
0x81: {  	_ =	shalt  }
0x82: {  	_ =	shalt  }
0x83: {  	_ =	shalt  }
0x84: {  	_ =	shalt  }
0x85: {  	_ =	shalt  }
0x86: {  	_ =	shalt  }
0x87: {  	_ =	shalt  }
.Lfunc_end0:
.L_simem_size_0:
called_computation_lowered:
.L_overlay_start_0:
0x88: {  	s2 =	sld [smem:$0x3FD9]  }
0x89: {  	s3 =	sld [smem:$0x3FFE];
	_ =	sdelay $0x1  }
0x8a: {  	s1 =	srdreg.scid  }
0x8b: {  	s0 =	sand.u32 $0x1, s1  }
0x8c: {  	s17 =	sshll.u32 s0, $0xA;
	s2 =	sadd.s32 s3, s2  }
0x8d: {  	s2 =	sadd.s32 s2, s17  }
0x8e: {  	[smem:$0x3FC6] =	sst s2  }
0x8f: {  	_ = 	snop  }
0x90: {  	s2 =	sld [smem:$0x3FC9]  }
0x91: {  	s18 =	sld [smem:$0x3FC8];
	(tm) =	ssettm $0x1  }
0x92: {  	s4 =	sld [smem:$0x3FFB];
	_ =	sdelay $0x3  }
0x93: {  	_ =	strace s4  }
0x94: {  	s4 =	sld [smem:$0x3FFC];
	_ =	sdelay $0x3  }
0x95: {  	_ =	strace s4  }
0x96: {  	s4 =	sld [smem:$0x3FFD];
	_ =	sdelay $0x3  }
0x97: {  	_ =	strace s4  }
0x98: {  	_ =	strace $0x8FFFFFFF  }
0x99: {  	s19 =	sld [smem:$0x3FDB];
	_ =	sdelay $0x1  }
0x9a: {  	s5 =	simm.s32 $_scs_section_size  }
0x9b: {  	s6 =	simm.s32 $_size__tile_overlayer_lowered;
	s7 =	simm.s32 $_tile_overlayer_lowered  }
0x9c: {  	s22 =	simm.s32 $0x1BFF;
	s21 =	sshll.u32 s7, $0x1;
	s4 =	sadd.s32 s5, s19  }
0x9d: {  	s8 =	simm.s32 $0x0;
	s20 =	sshll.u32 s6, $0x1;
	s6 =	sadd.s32 s21, s4  }
0x9e: {  	[timem:s8], [sflag:s22] =	dma.local [hbm:s6], s20  }
0x9f: {  	_ =	swait.ge [sflag:s22], s20  }
0xa0: {  	s5 =	ssub.s32 $0x0, s20;
	[sflag:s22] =	ssyncset.done $0x0  }
0xa1: {  	[sflag:s22] =	ssyncadd.s32 s5;
	_ =	sdelay $0x1  }
0xa2: {  	s23 =	simm.s32 $0x1B8B  }
0xa3: {  	_ =	swait.ge [sflag:s23], $0x1  }
0xa4: {  	[sflag:s23] =	ssyncset.done $0x0  }
0xa5: {  	s25 =	simm.s32 $0x1B8E;
	s24 =	sld [smem:$0x3FFE];
	[sflag:s23] =	ssyncadd.s32 $0xFFFFFFFF  }
0xa6: {  	s26 =	simm.s32 $execute0_lowered;
	[smem:$0x3FD2] =	sst s25  }
0xa7: {  	s6 =	sshll.u32 s26, $0x1;
	_ =	strace $0x80000046;
	[dreg:$0x1] =	wrdreg $0xFFFFFFFF  }
0xa8: {  	s28 =	simm.s32 $_size_execute0_lowered;
	s4 =	sadd.s32 s4, s6;
	[dreg:$0x0] =	wrdreg $0x0  }
0xa9: {  	s6 =	sshll.u32 s28, $0x1;
	[dreg:$0x2] =	wrdreg s4  }
0xaa: {  	[dreg:$0x3] =	wrdreg s6  }
0xab: {  	[dreg:$0x4] =	wrdreg $0xC0  }
0xac: {  	_ =	task [dreg:s8], $0x5FFFF  }
0xad: {  	[dreg:$0x1] =	wrdreg $0xFFFFFFFF  }
0xae: {  	[dreg:$0x0] =	wrdreg $0x60  }
0xaf: {  	[dreg:$0x2] =	wrdreg s2  }
0xb0: {  	[dreg:$0x3] =	wrdreg s18  }
0xb1: {  	[dreg:$0x4] =	wrdreg s24  }
0xb2: {  	[dreg:$0x5] =	wrdreg $0x9  }
0xb3: {  	_ =	task.clear_ibuf [dreg:s8], $0x6FFFF;
	_ =	strace $0x90000046  }
0xb4: {  	s29 =	simm.s32 $0x9;
	_ =	strace $0x80000048  }
0xb5: {  	_ =	swait.ge [sflag:s29], $0x1  }
0xb6: {  	[sflag:s29] =	ssyncadd.s32 $0xFFFFFFFF  }
0xb7: {  	_ =	strace $0x90000048  }
0xb8: {  	_ =	sfence  }
0xb9: {  	s30 =	sld [smem:$0x0];
	_ =	sdelay $0x2  }
0xba: {  	s31 =	sshll.u32 s1, $0xD;
	s1 =	sshrl.u32 s1, $0x2  }
0xbb: {  	s3 =	sand.u32 $0x4000, s31;
	s1 =	sadd.s32 s1, s30  }
0xbc: {  	s0 =	sor.u32 s3, s0;
	s1 =	sshll.u32 s1, $0x11  }
0xbd: {  	s0 =	sor.u32 s1, s0  }
0xbe: {  	s0 =	sadd.s32 $0x8F2B, s0  }
0xbf: {  	[sflag:s0] =	ssyncadd.remote.s32 $0x1  }
0xc0: {  	_ =	sfence.sel $0xFFFF  }
0xc1: {  	[dreg:$0x0] =	wrdreg $0xFFFFFFFF;
	(pc) =	sbr.abs _section_cstart, $3  }
0xc2: {  	[dreg:$0x1] =	wrdreg $0xFFFFFFFF  }
0xc3: {  	_ =	task.clear_ibuf [dreg:s8], $0x2FFFF;
	_ =	strace $0x9FFFFFFF  }
0xc4: {  	(tm) =	ssettm $0x7FFFFFFF  }
0xc5: {  	_ =	shalt  }
tec
execute0_lowered:
.L_overlay_start_1:
0x0: {  	(tag) =	ssettag $0x1  }
0x1: {  	s3 =	rddreg [dreg:$0x0]  }
0x2: {  	s4 =	rddreg [dreg:$0x1];
	s0 =	srdreg.scid  }
0x3: {  	s5 =	rddreg [dreg:$0x2];
	s1 =	stileid.u32;
	s2 =	simm.s32 $0x0  }
0x4: {  	s10 =	simm.s32 $0x5900;
	s11 =	simm.s32 $0x0;
	s6 =	sand.u32 $0x1, s0  }
0x5: {  	s0 =	rddreg [dreg:$0x3];
	s7 =	sshll.u32 s1, $0x9;
	s8 =	sshll.u32 s6, $0x8  }
0x6: {  	[smem:$0x7FF] =	sst s2;
	s6 =	ssub.s32 $0x2, s6;
	s7 =	sor.u32 s8, s7  }
0x7: {  	_ =	strace $0x80000047;
	s9 =	sshrl.u32 s6, $0x1;
	s8 =	sshrl.u32 s7, $0x3  }
0x8: {  	s6 =	ssub.s32 s6, s9;
	s3 =	sadd.s32 s3, s7;
	s7 =	simm.s32 $0x800  }
0x9: {  	s9 =	simm.s32 $0x1;
	s5 =	sadd.s32 s8, s5;
	s4 =	sadd.s32 s4, s8  }
0xa: {  	s6 =	smax.u32 s6, $0x1;
	s8 =	simm.s32 $0x100000;
	s5 =	sadd.s32 $0x800, s5  }
.LBB2_1:
0xb: {  	[tilespmem:s2], [sflag:$0x1] =	stream.strided.gather [hbm4b:s3+s7], $0x5800, s8, s7, $0x38;
	[tilespmem:$0x5A00] =	vst v63  }
0xc: {  	_ =	swait.ge [sflag:s9], $0x5800  }
0xd: {  	[sflag:s9] =	ssyncset.done $0x0  }
0xe: {  	s12 =	simm.s32 $0x5800;
	[sflag:s9] =	ssyncadd.s32 $0xFFFFA800  }
0xf: {  	[tilespmem:s12], [sflag:$0x1] =	stream.linear.gather [hbm4b:s4+s2], $0x100, $0x38;
	[tilespmem:$0x5A00] =	vst v63  }
0x10: {  	_ =	swait.ge [sflag:s9], $0x100  }
0x11: {  	s13 =	sand.u32 $0x70, s2;
	s14 =	sand.u32 $0x400, s2;
	[sflag:s9] =	ssyncset.done $0x0  }
0x12: {  	s13 =	sor.u32 s13, s14;
	[sflag:s9] =	ssyncadd.s32 $0xFFFFFF00  }
0x13: {  	v0 =	vld [tilespmem:s13+$0x0];
	_ =	sdelay $0x1  }
0x14: {  	v1 =	vld [tilespmem:s13+$0x80];
	_ =	sdelay $0x1  }
0x15: {  	v2 =	vld [tilespmem:s13+$0x100]  }
0x16: {  	v0 =	vmul.f32 $1.442695020e+00, v0  }
0x17: {  	v3 =	vld [tilespmem:s13+$0x180]  }
0x18: {  	v1 =	vmul.f32 $1.442695020e+00, v1;
	(erf) = vpow2.f32 v0  }
0x19: {  	v0 =	vld [tilespmem:s13+$0x200]  }
0x1a: {  	v2 =	vmul.f32 $1.442695020e+00, v2;
	(erf) = vpow2.f32 v1  }
0x1b: {  	v1 =	vld [tilespmem:s13+$0x280]  }
0x1c: {  	v3 =	vmul.f32 $1.442695020e+00, v3;
	(erf) = vpow2.f32 v2  }
0x1d: {  	s31 =	sor.u32 s2, s2;
	v2 =	vld [tilespmem:s13+$0x300]  }
0x1e: {  	s14 =	sor.u32 $0x380, s31;
	(erf) = vpow2.f32 v3;
	v0 =	vmul.f32 $1.442695020e+00, v0  }
0x1f: {  	v3 =	vld [tilespmem:s14+$0x0]  }
0x20: {  	v1 =	vmul.f32 $1.442695020e+00, v1;
	(erf) = vpow2.f32 v0  }
0x21: {  	v0 =	vld [tilespmem:s13+$0x800];
	v5 =	vpop (erf)  }
0x22: {  	v2 =	vmul.f32 $1.442695020e+00, v2;
	(erf) = vpow2.f32 v1;
	v4 =	vadd.f32 $0.0e+00, v5  }
0x23: {  	v1 =	vld [tilespmem:s13+$0x880];
	v9 =	vpop (erf)  }
0x24: {  	v3 =	vmul.f32 $1.442695020e+00, v3;
	(erf) = vpow2.f32 v2;
	v4 =	vadd.f32 v9, v4  }
0x25: {  	v2 =	vld [tilespmem:s13+$0x900];
	v7 =	vpop (erf)  }
0x26: {  	(erf) = vpow2.f32 v3;
	v0 =	vmul.f32 $1.442695020e+00, v0;
	v4 =	vadd.f32 v7, v4  }
0x27: {  	v3 =	vld [tilespmem:s13+$0x980];
	v6 =	vpop (erf)  }
0x28: {  	v1 =	vmul.f32 $1.442695020e+00, v1;
	(erf) = vpow2.f32 v0;
	v4 =	vadd.f32 v6, v4  }
0x29: {  	v0 =	vld [tilespmem:s13+$0xA00];
	v8 =	vpop (erf)  }
0x2a: {  	v2 =	vmul.f32 $1.442695020e+00, v2;
	(erf) = vpow2.f32 v1;
	v4 =	vadd.f32 v8, v4  }
0x2b: {  	v1 =	vld [tilespmem:s13+$0xA80];
	v10 =	vpop (erf)  }
0x2c: {  	v3 =	vmul.f32 $1.442695020e+00, v3;
	(erf) = vpow2.f32 v2;
	v4 =	vadd.f32 v10, v4  }
0x2d: {  	v2 =	vld [tilespmem:s13+$0xB00];
	v11 =	vpop (erf)  }
0x2e: {  	(erf) = vpow2.f32 v3;
	v0 =	vmul.f32 $1.442695020e+00, v0;
	v4 =	vadd.f32 v11, v4  }
0x2f: {  	v3 =	vld [tilespmem:s13+$0xB80];
	v13 =	vpop (erf)  }
0x30: {  	v1 =	vmul.f32 $1.442695020e+00, v1;
	(erf) = vpow2.f32 v0;
	v4 =	vadd.f32 v13, v4  }
0x31: {  	v0 =	vld [tilespmem:s13+$0x1000];
	v15 =	vpop (erf)  }
0x32: {  	v2 =	vmul.f32 $1.442695020e+00, v2;
	(erf) = vpow2.f32 v1;
	v4 =	vadd.f32 v15, v4  }
0x33: {  	v1 =	vld [tilespmem:s13+$0x1080];
	v14 =	vpop (erf)  }
0x34: {  	v3 =	vmul.f32 $1.442695020e+00, v3;
	(erf) = vpow2.f32 v2;
	v4 =	vadd.f32 v14, v4  }
0x35: {  	v2 =	vld [tilespmem:s13+$0x1100];
	v16 =	vpop (erf)  }
0x36: {  	(erf) = vpow2.f32 v3;
	v3 =	vld [tilespmem:s13+$0x1180];
	v0 =	vmul.f32 $1.442695020e+00, v0;
	v4 =	vadd.f32 v16, v4  }
0x37: {  	v19 =	vld [tilespmem:s13+$0x4B80];
	v12 =	vpop (erf)  }
0x38: {  	v1 =	vmul.f32 $1.442695020e+00, v1;
	(erf) = vpow2.f32 v0;
	v0 =	vld [tilespmem:s13+$0x1200];
	v4 =	vadd.f32 v12, v4  }
0x39: {  	v20 =	vld [tilespmem:s13+$0x4A80];
	v17 =	vpop (erf)  }
0x3a: {  	v2 =	vmul.f32 $1.442695020e+00, v2;
	(erf) = vpow2.f32 v1;
	v1 =	vld [tilespmem:s13+$0x1280];
	v4 =	vadd.f32 v17, v4  }
0x3b: {  	v3 =	vmul.f32 $1.442695020e+00, v3;
	v18 =	vpop (erf)  }
0x3c: {  	v22 =	vld [tilespmem:s13+$0x4980];
	v21 =	vmul.f32 $1.442695020e+00, v19;
	(erf) = vpow2.f32 v2;
	v4 =	vadd.f32 v18, v4  }
0x3d: {  	v2 =	vld [tilespmem:s13+$0x1300];
	(erf) = vpow2.f32 v3;
	v19 =	vpop (erf);
	v0 =	vmul.f32 $1.442695020e+00, v0  }
0x3e: {  	v23 =	vmul.f32 $1.442695020e+00, v20;
	v3 =	vld [tilespmem:s13+$0x1380];
	(erf) = vpow2.f32 v21;
	v4 =	vadd.f32 v19, v4  }
0x3f: {  	v20 =	vpop (erf);
	v1 =	vmul.f32 $1.442695020e+00, v1;
	(erf) = vpow2.f32 v0;
	v0 =	vld [tilespmem:s13+$0x1800]  }
0x40: {  	v24 =	vld [tilespmem:s13+$0x4880];
	(erf) = vpow2.f32 v23;
	v4 =	vadd.f32 v20, v4  }
0x41: {  	v21 =	vpop (erf);
	(erf) = vpow2.f32 v1;
	v1 =	vld [tilespmem:s13+$0x1880]  }
0x42: {  	v26 =	vld [tilespmem:s13+$0x1900];
	v2 =	vmul.f32 $1.442695020e+00, v2;
	v4 =	vadd.f32 v21, v4  }
0x43: {  	v25 =	vmul.f32 $1.442695020e+00, v22;
	v3 =	vmul.f32 $1.442695020e+00, v3;
	v22 =	vpop (erf)  }
0x44: {  	(erf) = vpow2.f32 v2;
	v0 =	vmul.f32 $1.442695020e+00, v0;
	v4 =	vadd.f32 v22, v4  }
0x45: {  	v27 =	vmul.f32 $1.442695020e+00, v24;
	v2 =	vld [tilespmem:s13+$0x1980];
	v23 =	vpop (erf);
	(erf) = vpow2.f32 v25  }
0x46: {  	(erf) = vpow2.f32 v3;
	v1 =	vmul.f32 $1.442695020e+00, v1;
	v4 =	vadd.f32 v23, v4  }
0x47: {  	v26 =	vmul.f32 $1.442695020e+00, v26;
	v3 =	vld [tilespmem:s13+$0x1A80];
	v24 =	vpop (erf);
	(erf) = vpow2.f32 v27  }
0x48: {  	v28 =	vld [tilespmem:s13+$0x1A00];
	(erf) = vpow2.f32 v0;
	v0 =	vpop (erf);
	v4 =	vadd.f32 v24, v4  }
0x49: {  	v53 =	vld [tilespmem:s13+$0x1B00];
	v25 =	vpop (erf)  }
0x4a: {  	v29 =	vld [tilespmem:s13+$0x1B80];
	v2 =	vmul.f32 $1.442695020e+00, v2;
	(erf) = vpow2.f32 v1;
	v1 =	vpop (erf);
	v4 =	vadd.f32 v25, v4  }
0x4b: {  	v30 =	vld [tilespmem:s13+$0x2000];
	(erf) = vpow2.f32 v26;
	v26 =	vpop (erf)  }
0x4c: {  	v31 =	vld [tilespmem:s13+$0x2080];
	(erf) = vpow2.f32 v2;
	v2 =	vmul.f32 $1.442695020e+00, v3;
	v3 =	vadd.f32 v26, v4  }
0x4d: {  	v32 =	vld [tilespmem:s13+$0x2100];
	v28 =	vmul.f32 $1.442695020e+00, v28;
	v27 =	vpop (erf)  }
0x4e: {  	v33 =	vld [tilespmem:s13+$0x2180];
	v3 =	vadd.f32 v27, v3  }
0x4f: {  	v34 =	vld [tilespmem:s13+$0x2200];
	v29 =	vmul.f32 $1.442695020e+00, v29;
	(erf) = vpow2.f32 v28  }
0x50: {  	v35 =	vld [tilespmem:s13+$0x2280];
	v54 =	vmul.f32 $1.442695020e+00, v53;
	(erf) = vpow2.f32 v2;
	v2 =	vpop (erf)  }
0x51: {  	v57 =	vld [tilespmem:s13+$0x2300];
	v55 =	vmul.f32 $1.442695020e+00, v30;
	v28 =	vpop (erf)  }
0x52: {  	v59 =	vld [tilespmem:s13+$0x2380];
	v56 =	vmul.f32 $1.442695020e+00, v31;
	(erf) = vpow2.f32 v54;
	v36 =	vadd.f32 v28, v3;
	v3 =	vpop (erf)  }
0x53: {  	v37 =	vld [tilespmem:s13+$0x2800];
	v33 =	vmul.f32 $1.442695020e+00, v33;
	(erf) = vpow2.f32 v29;
	v29 =	vpop (erf)  }
0x54: {  	v58 =	vmul.f32 $1.442695020e+00, v32;
	(erf) = vpow2.f32 v55;
	v4 =	vld [tilespmem:s12+$0x0];
	v36 =	vadd.f32 v29, v36  }
0x55: {  	v38 =	vld [tilespmem:s13+$0x2880];
	(erf) = vpow2.f32 v56;
	v30 =	vpop (erf)  }
0x56: {  	v39 =	vld [tilespmem:s13+$0x2900];
	(erf) = vpow2.f32 v58;
	v36 =	vadd.f32 v30, v36  }
0x57: {  	v43 =	vld [tilespmem:s13+$0x2A00];
	(erf) = vpow2.f32 v33;
	v33 =	vpop (erf)  }
0x58: {  	v52 =	vld [tilespmem:s13+$0x3080];
	v34 =	vmul.f32 $1.442695020e+00, v34;
	v35 =	vmul.f32 $1.442695020e+00, v35;
	v36 =	vadd.f32 v33, v36  }
0x59: {  	v60 =	vmul.f32 $1.442695020e+00, v57;
	v61 =	vmul.f32 $1.442695020e+00, v59;
	vm0 =	veq.s32 v4, $0x0;
	v31 =	vpop (erf)  }
0x5a: {  	v62 =	vmul.f32 $1.442695020e+00, v37;
	v5 =	vnsel vm0, $0x0, v5;
	v40 =	vadd.f32 v31, v36  }
0x5b: {  	v41 =	vmul.f32 $1.442695020e+00, v38;
	v42 =	vmul.f32 $1.442695020e+00, v39;
	vm8 =	veq.s32 v4, $0x1;
	v32 =	vpop (erf)  }
0x5c: {  	v9 =	vsel vm8, v9, v5;
	(erf) = vpow2.f32 v34;
	v34 =	vadd.f32 v32, v40  }
0x5d: {  	v46 =	vmul.f32 $1.442695020e+00, v43;
	v57 =	vmul.f32 $1.442695020e+00, v52;
	vm9 =	veq.s32 v4, $0x2;
	v5 =	vpop (erf)  }
0x5e: {  	vm10 =	veq.s32 v4, $0x3;
	v7 =	vsel vm9, v7, v9;
	v34 =	vadd.f32 v5, v34  }
0x5f: {  	vm11 =	veq.s32 v4, $0x4;
	vm12 =	veq.s32 v4, $0x5;
	v6 =	vsel vm10, v6, v7;
	v9 =	vpop (erf)  }
0x60: {  	v63 =	vld [tilespmem:s13+$0x2980];
	vm13 =	veq.s32 v4, $0x6;
	v6 =	vsel vm11, v8, v6;
	v34 =	vadd.f32 v9, v34  }
0x61: {  	vm14 =	veq.s32 v4, $0x7;
	vm15 =	veq.s32 v4, $0x8;
	v6 =	vsel vm12, v10, v6;
	v7 =	vpop (erf)  }
0x62: {  	v44 =	vld [tilespmem:s13+$0x2A80];
	vm4 =	veq.s32 v4, $0x9;
	v6 =	vsel vm13, v11, v6;
	v34 =	vadd.f32 v7, v34  }
0x63: {  	v45 =	vld [tilespmem:s13+$0x2B00];
	vm5 =	veq.s32 v4, $0xA;
	vm6 =	veq.s32 v4, $0xB;
	v6 =	vsel vm14, v13, v6;
	v13 =	vpop (erf)  }
0x64: {  	v39 =	vld [tilespmem:s13+$0x3800];
	vm7 =	veq.s32 v4, $0xC;
	(erf) = vpow2.f32 v35;
	v48 =	vadd.f32 v13, v34  }
0x65: {  	vm8 =	veq.s32 v4, $0xD;
	vm9 =	veq.s32 v4, $0xE;
	v35 =	vmul.f32 $1.442695020e+00, v63;
	v49 =	vpop (erf)  }
0x66: {  	v47 =	vld [tilespmem:s13+$0x2B80];
	(erf) = vpow2.f32 v60;
	v6 =	vsel vm15, v15, v6;
	v15 =	vadd.f32 v49, v48  }
0x67: {  	vm10 =	veq.s32 v4, $0xF;
	v8 =	vmul.f32 $1.442695020e+00, v44;
	vm11 =	veq.s32 v4, $0x10;
	v50 =	vpop (erf)  }
0x68: {  	(erf) = vpow2.f32 v61;
	v10 =	vmul.f32 $1.442695020e+00, v45;
	v15 =	vadd.f32 v50, v15  }
0x69: {  	vm12 =	veq.s32 v4, $0x11;
	v45 =	vmul.f32 $1.442695020e+00, v39;
	v6 =	vsel vm4, v14, v6;
	v53 =	vpop (erf)  }
0x6a: {  	(erf) = vpow2.f32 v62;
	v6 =	vsel vm5, v16, v6;
	v15 =	vadd.f32 v53, v15  }
0x6b: {  	v11 =	vmul.f32 $1.442695020e+00, v47;
	vm13 =	veq.s32 v4, $0x12;
	v6 =	vsel vm6, v12, v6;
	v55 =	vpop (erf)  }
0x6c: {  	(erf) = vpow2.f32 v41;
	v6 =	vsel vm7, v17, v6;
	v15 =	vadd.f32 v55, v15  }
0x6d: {  	vm14 =	veq.s32 v4, $0x13;
	(erf) = vpow2.f32 v42;
	v6 =	vsel vm8, v18, v6;
	v58 =	vpop (erf)  }
0x6e: {  	v62 =	vld [tilespmem:s13+$0x3280];
	vm15 =	veq.s32 v4, $0x14;
	v6 =	vsel vm9, v19, v6;
	v15 =	vadd.f32 v58, v15  }
0x6f: {  	v51 =	vld [tilespmem:s13+$0x3000];
	(erf) = vpow2.f32 v35;
	vm4 =	veq.s32 v4, $0x15;
	v6 =	vsel vm10, v20, v6;
	v59 =	vpop (erf)  }
0x70: {  	(erf) = vpow2.f32 v46;
	v6 =	vsel vm11, v21, v6;
	v15 =	vadd.f32 v59, v15  }
0x71: {  	v54 =	vld [tilespmem:s13+$0x3100];
	vm5 =	veq.s32 v4, $0x16;
	(erf) = vpow2.f32 v8;
	v61 =	vpop (erf);
	v6 =	vsel vm12, v22, v6  }
0x72: {  	v56 =	vld [tilespmem:s13+$0x3180];
	vm6 =	veq.s32 v4, $0x17;
	v6 =	vsel vm13, v23, v6;
	v15 =	vadd.f32 v61, v15  }
0x73: {  	v36 =	vmul.f32 $1.442695020e+00, v62;
	(erf) = vpow2.f32 v10;
	v63 =	vpop (erf);
	v6 =	vsel vm14, v24, v6  }
0x74: {  	v10 =	vmul.f32 $1.442695020e+00, v51;
	v6 =	vsel vm15, v25, v6;
	v15 =	vadd.f32 v63, v15  }
0x75: {  	vm7 =	veq.s32 v4, $0x18;
	(erf) = vpow2.f32 v11;
	v34 =	vpop (erf);
	v6 =	vsel vm4, v26, v6  }
0x76: {  	v11 =	vmul.f32 $1.442695020e+00, v54;
	v6 =	vsel vm5, v27, v6;
	v15 =	vadd.f32 v34, v15  }
0x77: {  	v18 =	vmul.f32 $1.442695020e+00, v56;
	vm8 =	veq.s32 v4, $0x19;
	v37 =	vpop (erf);
	v6 =	vsel vm6, v28, v6  }
0x78: {  	v60 =	vld [tilespmem:s13+$0x3200];
	(erf) = vpow2.f32 v10;
	v6 =	vsel vm7, v29, v6;
	v15 =	vadd.f32 v37, v15  }
0x79: {  	vm9 =	veq.s32 v4, $0x1A;
	(erf) = vpow2.f32 v57;
	v38 =	vpop (erf);
	v6 =	vsel vm8, v30, v6  }
0x7a: {  	vm10 =	veq.s32 v4, $0x1B;
	v6 =	vsel vm9, v33, v6;
	v15 =	vadd.f32 v38, v15  }
0x7b: {  	(erf) = vpow2.f32 v11;
	vm11 =	veq.s32 v4, $0x1C;
	v40 =	vpop (erf);
	v6 =	vsel vm10, v31, v6  }
0x7c: {  	v35 =	vld [tilespmem:s13+$0x3380];
	vm12 =	veq.s32 v4, $0x1D;
	v6 =	vsel vm11, v32, v6;
	v15 =	vadd.f32 v40, v15  }
0x7d: {  	v41 =	vld [tilespmem:s13+$0x3880];
	v11 =	vmul.f32 $1.442695020e+00, v60;
	vm13 =	veq.s32 v4, $0x1E;
	v42 =	vpop (erf);
	v5 =	vsel vm12, v5, v6  }
0x7e: {  	v57 =	vld [tilespmem:s13+$0x3B80];
	vm14 =	veq.s32 v4, $0x1F;
	v5 =	vsel vm13, v9, v5;
	v44 =	vadd.f32 v42, v15  }
0x7f: {  	(erf) = vpow2.f32 v18;
	vm15 =	veq.s32 v4, $0x20;
	v26 =	vld [tilespmem:s13+$0x3300];
	v46 =	vpop (erf);
	v5 =	vsel vm14, v7, v5  }
0x80: {  	vm4 =	veq.s32 v4, $0x21;
	v5 =	vsel vm15, v13, v5;
	v9 =	vadd.f32 v46, v44  }
0x81: {  	(erf) = vpow2.f32 v11;
	v23 =	vmul.f32 $1.442695020e+00, v35;
	v5 =	vsel vm4, v49, v5;
	v49 =	vpop (erf)  }
0x82: {  	v43 =	vld [tilespmem:s13+$0x3900];
	(erf) = vpow2.f32 v36;
	vm5 =	veq.s32 v4, $0x22;
	v9 =	vadd.f32 v49, v9  }
0x83: {  	v48 =	vmul.f32 $1.442695020e+00, v41;
	v17 =	vmul.f32 $1.442695020e+00, v57;
	v5 =	vsel vm5, v50, v5;
	v50 =	vpop (erf)  }
0x84: {  	vm6 =	veq.s32 v4, $0x23;
	v21 =	vmul.f32 $1.442695020e+00, v26;
	v9 =	vadd.f32 v50, v9  }
0x85: {  	v47 =	vld [tilespmem:s13+$0x3980];
	vm7 =	veq.s32 v4, $0x24;
	vm8 =	veq.s32 v4, $0x25;
	vm9 =	veq.s32 v4, $0x26;
	v52 =	vpop (erf)  }
0x86: {  	v26 =	vld [tilespmem:s13+$0x4180];
	vm10 =	veq.s32 v4, $0x27;
	(erf) = vpow2.f32 v21;
	v9 =	vadd.f32 v52, v9  }
0x87: {  	v33 =	vld [tilespmem:s13+$0x4280];
	vm11 =	veq.s32 v4, $0x28;
	(erf) = vpow2.f32 v23;
	v6 =	vmul.f32 $1.442695020e+00, v43;
	v54 =	vpop (erf)  }
0x88: {  	v51 =	vld [tilespmem:s13+$0x3A00];
	vm12 =	veq.s32 v4, $0x29;
	v5 =	vsel vm6, v53, v5;
	v9 =	vadd.f32 v54, v9  }
0x89: {  	v31 =	vld [tilespmem:s13+$0x4200];
	(erf) = vpow2.f32 v45;
	vm13 =	veq.s32 v4, $0x2A;
	v5 =	vsel vm7, v55, v5;
	v56 =	vpop (erf)  }
0x8a: {  	v21 =	vld [tilespmem:s13+$0x4100];
	(erf) = vpow2.f32 v48;
	v5 =	vsel vm8, v58, v5;
	v9 =	vadd.f32 v56, v9  }
0x8b: {  	vm14 =	veq.s32 v4, $0x2B;
	v8 =	vmul.f32 $1.442695020e+00, v26;
	v5 =	vsel vm9, v59, v5;
	v59 =	vpop (erf)  }
0x8c: {  	v39 =	vmul.f32 $1.442695020e+00, v33;
	(erf) = vpow2.f32 v6;
	v9 =	vadd.f32 v59, v9  }
0x8d: {  	v13 =	vmul.f32 $1.442695020e+00, v47;
	v6 =	vmul.f32 $1.442695020e+00, v51;
	vm15 =	veq.s32 v4, $0x2C;
	v53 =	vld [tilespmem:s13+$0x3A80];
	v60 =	vpop (erf)  }
0x8e: {  	v45 =	vld [tilespmem:s13+$0x4900];
	v36 =	vmul.f32 $1.442695020e+00, v31;
	vm4 =	veq.s32 v4, $0x2D;
	v9 =	vadd.f32 v60, v9  }
0x8f: {  	v29 =	vmul.f32 $1.442695020e+00, v21;
	(erf) = vpow2.f32 v13;
	vm5 =	veq.s32 v4, $0x2E;
	v55 =	vld [tilespmem:s13+$0x3B00];
	v62 =	vpop (erf)  }
0x90: {  	vm6 =	veq.s32 v4, $0x2F;
	vm7 =	veq.s32 v4, $0x30;
	v9 =	vadd.f32 v62, v9  }
0x91: {  	(erf) = vpow2.f32 v6;
	vm8 =	veq.s32 v4, $0x31;
	v5 =	vsel vm10, v61, v5;
	v22 =	vpop (erf)  }
0x92: {  	v5 =	vsel vm11, v63, v5;
	v58 =	vmul.f32 $1.442695020e+00, v53;
	v23 =	vadd.f32 v22, v9  }
0x93: {  	v6 =	vmul.f32 $1.442695020e+00, v45;
	vm9 =	veq.s32 v4, $0x32;
	v61 =	vld [tilespmem:s13+$0x4000];
	v5 =	vsel vm12, v34, v5;
	v25 =	vpop (erf)  }
0x94: {  	v63 =	vld [tilespmem:s13+$0x4080];
	v12 =	vmul.f32 $1.442695020e+00, v55;
	(erf) = vpow2.f32 v58;
	v7 =	vadd.f32 v25, v23  }
0x95: {  	vm10 =	veq.s32 v4, $0x33;
	vm11 =	veq.s32 v4, $0x34;
	v5 =	vsel vm13, v37, v5;
	v28 =	vpop (erf)  }
0x96: {  	(erf) = vpow2.f32 v12;
	v5 =	vsel vm14, v38, v5;
	v7 =	vadd.f32 v28, v7  }
0x97: {  	vm12 =	veq.s32 v4, $0x35;
	v5 =	vsel vm15, v40, v5;
	(erf) = vpow2.f32 v17;
	v30 =	vpop (erf)  }
0x98: {  	v24 =	vmul.f32 $1.442695020e+00, v61;
	v5 =	vsel vm4, v42, v5;
	v7 =	vadd.f32 v30, v7  }
0x99: {  	vm13 =	veq.s32 v4, $0x36;
	v27 =	vmul.f32 $1.442695020e+00, v63;
	v32 =	vpop (erf);
	v5 =	vsel vm5, v46, v5  }
0x9a: {  	v38 =	vld [tilespmem:s13+$0x4380];
	(erf) = vpow2.f32 v24;
	v5 =	vsel vm6, v49, v5;
	v7 =	vadd.f32 v32, v7  }
0x9b: {  	vm14 =	veq.s32 v4, $0x37;
	vm15 =	veq.s32 v4, $0x38;
	v35 =	vpop (erf);
	v5 =	vsel vm7, v50, v5  }
0x9c: {  	v34 =	vld [tilespmem:s13+$0x4300];
	(erf) = vpow2.f32 v27;
	v5 =	vsel vm8, v52, v5;
	v7 =	vadd.f32 v35, v7  }
0x9d: {  	vm4 =	veq.s32 v4, $0x39;
	vm5 =	veq.s32 v4, $0x3A;
	v5 =	vsel vm9, v54, v5;
	v37 =	vpop (erf)  }
0x9e: {  	(erf) = vpow2.f32 v29;
	v5 =	vsel vm10, v56, v5;
	v7 =	vadd.f32 v37, v7  }
0x9f: {  	vm6 =	veq.s32 v4, $0x3B;
	v43 =	vmul.f32 $1.442695020e+00, v38;
	v5 =	vsel vm11, v59, v5;
	v40 =	vpop (erf)  }
0xa0: {  	v46 =	vld [tilespmem:s13+$0x4A00];
	(erf) = vpow2.f32 v8;
	v5 =	vsel vm12, v60, v5;
	v7 =	vadd.f32 v40, v7  }
0xa1: {  	vm7 =	veq.s32 v4, $0x3C;
	v8 =	vmul.f32 $1.442695020e+00, v34;
	v41 =	vpop (erf);
	v5 =	vsel vm13, v62, v5  }
0xa2: {  	v42 =	vld [tilespmem:s13+$0x4800];
	(erf) = vpow2.f32 v36;
	v5 =	vsel vm14, v22, v5;
	v7 =	vadd.f32 v41, v7  }
0xa3: {  	vm8 =	veq.s32 v4, $0x3D;
	vm9 =	veq.s32 v4, $0x3E;
	v44 =	vpop (erf);
	v5 =	vsel vm15, v25, v5  }
0xa4: {  	(erf) = vpow2.f32 v39;
	v5 =	vsel vm4, v28, v5;
	v7 =	vadd.f32 v44, v7  }
0xa5: {  	v49 =	vld [tilespmem:s13+$0x4B00];
	vm10 =	veq.s32 v4, $0x3F;
	v11 =	vmul.f32 $1.442695020e+00, v46;
	v47 =	vpop (erf);
	v5 =	vsel vm5, v30, v5  }
0xa6: {  	(erf) = vpow2.f32 v8;
	v5 =	vsel vm6, v32, v5;
	v7 =	vadd.f32 v47, v7  }
0xa7: {  	vm11 =	veq.s32 v4, $0x40;
	v8 =	vmul.f32 $1.442695020e+00, v42;
	v48 =	vpop (erf);
	v5 =	vsel vm7, v35, v5  }
0xa8: {  	(erf) = vpow2.f32 v43;
	v5 =	vsel vm8, v37, v5;
	v7 =	vadd.f32 v48, v7  }
0xa9: {  	v51 =	vld [tilespmem:s13+$0x5000];
	vm12 =	veq.s32 v4, $0x41;
	(erf) = vpow2.f32 v8;
	v50 =	vpop (erf);
	v5 =	vsel vm9, v40, v5  }
0xaa: {  	v53 =	vmul.f32 $1.442695020e+00, v49;
	v5 =	vsel vm10, v41, v5;
	v7 =	vadd.f32 v50, v7  }
0xab: {  	vm13 =	veq.s32 v4, $0x42;
	(erf) = vpow2.f32 v6;
	v52 =	vpop (erf);
	v5 =	vsel vm11, v44, v5  }
0xac: {  	vm14 =	veq.s32 v4, $0x43;
	v5 =	vsel vm12, v47, v5;
	v7 =	vadd.f32 v52, v7  }
0xad: {  	vm15 =	veq.s32 v4, $0x44;
	(erf) = vpow2.f32 v11;
	v54 =	vpop (erf);
	v5 =	vsel vm13, v48, v5  }
0xae: {  	v56 =	vmul.f32 $1.442695020e+00, v51;
	v5 =	vsel vm14, v50, v5;
	v55 =	vadd.f32 v54, v7  }
0xaf: {  	vm4 =	veq.s32 v4, $0x45;
	(erf) = vpow2.f32 v53;
	v57 =	vpop (erf);
	v5 =	vsel vm15, v52, v5  }
0xb0: {  	vm5 =	veq.s32 v4, $0x46;
	v5 =	vsel vm4, v54, v5;
	v6 =	vadd.f32 v57, v55  }
0xb1: {  	vm6 =	veq.s32 v4, $0x47;
	(erf) = vpow2.f32 v56;
	v58 =	vpop (erf);
	v5 =	vsel vm5, v57, v5  }
0xb2: {  	vm7 =	veq.s32 v4, $0x48;
	v59 =	vpop (erf);
	v5 =	vsel vm6, v58, v5;
	v6 =	vadd.f32 v58, v6  }
0xb3: {  	vm8 =	veq.s32 v4, $0x49;
	v5 =	vsel vm7, v59, v5  }
0xb4: {  	vm9 =	veq.s32 v4, $0x4A;
	v60 =	vpop (erf);
	v5 =	vsel vm8, v3, v5;
	v6 =	vadd.f32 v59, v6  }
0xb5: {  	vm10 =	veq.s32 v4, $0x4B;
	v5 =	vsel vm9, v60, v5  }
0xb6: {  	vm11 =	veq.s32 v4, $0x4C;
	v61 =	vpop (erf);
	v5 =	vsel vm10, v2, v5;
	v3 =	vadd.f32 v3, v6  }
0xb7: {  	vm12 =	veq.s32 v4, $0x4D;
	v5 =	vsel vm11, v61, v5  }
0xb8: {  	vm13 =	veq.s32 v4, $0x4E;
	v62 =	vpop (erf);
	v5 =	vsel vm12, v1, v5;
	v3 =	vadd.f32 v60, v3  }
0xb9: {  	vm14 =	veq.s32 v4, $0x4F;
	v5 =	vsel vm13, v62, v5  }
0xba: {  	vm15 =	veq.s32 v4, $0x50;
	v63 =	vpop (erf);
	v2 =	vadd.f32 v2, v3;
	v3 =	vsel vm14, v0, v5  }
0xbb: {  	v3 =	vsel vm15, v63, v3  }
0xbc: {  	v2 =	vadd.f32 v61, v2;
	(erf) = vrcp.f32 v3;
	_ =	sdelay $0x1  }
0xbd: {  	v1 =	vadd.f32 v1, v2;
	_ =	sdelay $0x1  }
0xbe: {  	v1 =	vadd.f32 v62, v1;
	_ =	sdelay $0x1  }
0xbf: {  	v0 =	vadd.f32 v0, v1;
	_ =	sdelay $0x1  }
0xc0: {  	v0 =	vadd.f32 v63, v0  }
0xc1: {  	s15 =	simm.s32 $0x80;
	s16 =	simm.s32 $0x20;
	s14 =	simm.s32 $0x10;
	v1 =	vpop (erf)  }
0xc2: {  	s18 =	sand.u32 $0x400, s15;
	s17 =	sand.u32 $0x70, s14;
	s13 =	simm.s32 $0x5900;
	v0 =	vmul.f32 v1, v0  }
.LBB2_2:
0xc3: {  	_ = 	snop  }
0xc4: {  	s17 =	sor.u32 s17, s18;
	[tilespmem:s13+$0x0] =	vst v0  }
0xc5: {  	v0 =	vld [tilespmem:s17+$0x0];
	_ =	sdelay $0x1  }
0xc6: {  	v1 =	vld [tilespmem:s17+$0x80];
	_ =	sdelay $0x1  }
0xc7: {  	v2 =	vld [tilespmem:s17+$0x100]  }
0xc8: {  	v4 =	vmul.f32 $1.442695020e+00, v0  }
0xc9: {  	v5 =	vld [tilespmem:s17+$0x180]  }
0xca: {  	v1 =	vmul.f32 $1.442695020e+00, v1;
	(erf) = vpow2.f32 v4  }
0xcb: {  	v6 =	vld [tilespmem:s17+$0x200]  }
0xcc: {  	v2 =	vmul.f32 $1.442695020e+00, v2;
	(erf) = vpow2.f32 v1  }
0xcd: {  	v1 =	vld [tilespmem:s17+$0x280]  }
0xce: {  	v3 =	vld [tilespmem:s17+$0x5000];
	v5 =	vmul.f32 $1.442695020e+00, v5;
	(erf) = vpow2.f32 v2  }
0xcf: {  	s31 =	sor.u32 s15, s14;
	v2 =	vld [tilespmem:s17+$0x300]  }
0xd0: {  	s18 =	sor.u32 $0x380, s31;
	v9 =	vld [tilespmem:s17+$0x4B80];
	v7 =	vmul.f32 $1.442695020e+00, v6;
	(erf) = vpow2.f32 v5  }
0xd1: {  	v46 =	vld [tilespmem:s18+$0x0]  }
0xd2: {  	v11 =	vld [tilespmem:s17+$0x4A80];
	(erf) = vpow2.f32 v7;
	v10 =	vmul.f32 $1.442695020e+00, v1  }
0xd3: {  	v47 =	vld [tilespmem:s17+$0x800];
	v17 =	vpop (erf)  }
0xd4: {  	v8 =	vld [tilespmem:s17+$0x4880];
	v13 =	vmul.f32 $1.442695020e+00, v2;
	(erf) = vpow2.f32 v10;
	v12 =	vadd.f32 $0.0e+00, v17  }
0xd5: {  	v48 =	vld [tilespmem:s17+$0x880];
	v18 =	vpop (erf)  }
0xd6: {  	v49 =	vld [tilespmem:s17+$0x900];
	v5 =	vmul.f32 $1.442695020e+00, v46;
	(erf) = vpow2.f32 v13;
	v12 =	vadd.f32 v18, v12  }
0xd7: {  	v15 =	vld [tilespmem:s17+$0x980];
	v19 =	vpop (erf)  }
0xd8: {  	v50 =	vld [tilespmem:s17+$0xA00];
	v14 =	vmul.f32 $1.442695020e+00, v47;
	(erf) = vpow2.f32 v5;
	v12 =	vadd.f32 v19, v12  }
0xd9: {  	v51 =	vld [tilespmem:s17+$0xA80];
	v21 =	vpop (erf)  }
0xda: {  	v23 =	vld [tilespmem:s17+$0xB00];
	v16 =	vmul.f32 $1.442695020e+00, v48;
	(erf) = vpow2.f32 v14;
	v12 =	vadd.f32 v21, v12  }
0xdb: {  	v29 =	vld [tilespmem:s17+$0xB80];
	v22 =	vpop (erf)  }
0xdc: {  	v30 =	vld [tilespmem:s17+$0x1000];
	v13 =	vmul.f32 $1.442695020e+00, v49;
	(erf) = vpow2.f32 v16;
	v12 =	vadd.f32 v22, v12  }
0xdd: {  	v56 =	vld [tilespmem:s17+$0x1080];
	v24 =	vpop (erf)  }
0xde: {  	v33 =	vld [tilespmem:s17+$0x1100];
	v15 =	vmul.f32 $1.442695020e+00, v15;
	(erf) = vpow2.f32 v13;
	v20 =	vadd.f32 v24, v12  }
0xdf: {  	v36 =	vld [tilespmem:s17+$0x1180];
	v25 =	vpop (erf)  }
0xe0: {  	v57 =	vld [tilespmem:s17+$0x1200];
	v53 =	vmul.f32 $1.442695020e+00, v50;
	(erf) = vpow2.f32 v15;
	v52 =	vadd.f32 v25, v20  }
0xe1: {  	v41 =	vld [tilespmem:s17+$0x3A80];
	v26 =	vpop (erf)  }
0xe2: {  	v58 =	vld [tilespmem:s17+$0x1280];
	v16 =	vmul.f32 $1.442695020e+00, v51;
	(erf) = vpow2.f32 v53;
	v54 =	vadd.f32 v26, v52  }
0xe3: {  	v59 =	vld [tilespmem:s17+$0x1300];
	v27 =	vpop (erf)  }
0xe4: {  	v45 =	vld [tilespmem:s17+$0x3980];
	v23 =	vmul.f32 $1.442695020e+00, v23;
	(erf) = vpow2.f32 v16;
	v55 =	vadd.f32 v27, v54  }
0xe5: {  	v61 =	vld [tilespmem:s17+$0x1380];
	v28 =	vpop (erf)  }
0xe6: {  	v63 =	vld [tilespmem:s17+$0x1800];
	v32 =	vmul.f32 $1.442695020e+00, v29;
	(erf) = vpow2.f32 v23;
	v37 =	vadd.f32 v28, v55  }
0xe7: {  	v0 =	vld [tilespmem:s17+$0x4B00];
	v29 =	vpop (erf)  }
0xe8: {  	v6 =	vld [tilespmem:s17+$0x4980];
	v35 =	vmul.f32 $1.442695020e+00, v30;
	(erf) = vpow2.f32 v32;
	v34 =	vadd.f32 v29, v37  }
0xe9: {  	v30 =	vld [tilespmem:s17+$0x3B00];
	v31 =	vpop (erf)  }
0xea: {  	v47 =	vld [tilespmem:s17+$0x3880];
	v16 =	vmul.f32 $1.442695020e+00, v56;
	(erf) = vpow2.f32 v35;
	v38 =	vadd.f32 v31, v34  }
0xeb: {  	v50 =	vmul.f32 $1.442695020e+00, v63;
	v63 =	vld [tilespmem:s17+$0x1A00];
	v32 =	vpop (erf)  }
0xec: {  	v33 =	vmul.f32 $1.442695020e+00, v33;
	v48 =	vld [tilespmem:s17+$0x1880];
	(erf) = vpow2.f32 v16;
	v40 =	vadd.f32 v32, v38  }
0xed: {  	v42 =	vmul.f32 $1.442695020e+00, v36;
	v60 =	vmul.f32 $1.442695020e+00, v57;
	v57 =	vld [tilespmem:s17+$0x3280];
	v34 =	vpop (erf)  }
0xee: {  	v3 =	vmul.f32 $1.442695020e+00, v3;
	v7 =	vld [tilespmem:s17+$0x4380];
	(erf) = vpow2.f32 v33;
	v39 =	vadd.f32 v34, v40  }
0xef: {  	v9 =	vmul.f32 $1.442695020e+00, v9;
	v62 =	vmul.f32 $1.442695020e+00, v58;
	v4 =	vld [tilespmem:s17+$0x4A00];
	v35 =	vpop (erf)  }
0xf0: {  	[tilespmem:$0x1FFB0] =	vst v3;
	v58 =	vmul.f32 $1.442695020e+00, v63;
	v63 =	vld [tilespmem:s17+$0x3000];
	(erf) = vpow2.f32 v42;
	v3 =	vadd.f32 v35, v39  }
0xf1: {  	v11 =	vmul.f32 $1.442695020e+00, v11;
	v1 =	vld [tilespmem:s17+$0x4900];
	v36 =	vpop (erf);
	(erf) = vpow2.f32 v9  }
0xf2: {  	v0 =	vmul.f32 $1.442695020e+00, v0;
	v2 =	vld [tilespmem:s17+$0x4800];
	(erf) = vpow2.f32 v60;
	v3 =	vadd.f32 v36, v3  }
0xf3: {  	v10 =	vld [tilespmem:s17+$0x4280];
	v46 =	vmul.f32 $1.442695020e+00, v7;
	v37 =	vpop (erf);
	(erf) = vpow2.f32 v11  }
0xf4: {  	[tilespmem:$0x1FFA0] =	vst v0;
	v7 =	vld [tilespmem:s17+$0x2B80];
	(erf) = vpow2.f32 v62;
	v0 =	vadd.f32 v37, v3;
	v3 =	vmul.f32 $1.442695020e+00, v59  }
0xf5: {  	v6 =	vmul.f32 $1.442695020e+00, v6;
	v5 =	vld [tilespmem:s17+$0x4300];
	v39 =	vpop (erf)  }
0xf6: {  	v49 =	vmul.f32 $1.442695020e+00, v61;
	v14 =	vld [tilespmem:s17+$0x4180];
	v0 =	vadd.f32 v39, v0;
	(erf) = vpow2.f32 v3  }
0xf7: {  	v8 =	vmul.f32 $1.442695020e+00, v8;
	v40 =	vpop (erf);
	v3 =	vld [tilespmem:s17+$0x1900];
	(erf) = vpow2.f32 v6  }
0xf8: {  	v61 =	vmul.f32 $1.442695020e+00, v48;
	v51 =	vld [tilespmem:s17+$0x3900];
	v0 =	vadd.f32 v40, v0;
	(erf) = vpow2.f32 v49  }
0xf9: {  	v44 =	vmul.f32 $1.442695020e+00, v1;
	v60 =	vld [tilespmem:s17+$0x1980];
	v42 =	vpop (erf);
	(erf) = vpow2.f32 v8  }
0xfa: {  	v2 =	vmul.f32 $1.442695020e+00, v2;
	v12 =	vld [tilespmem:s17+$0x4200];
	v62 =	vpop (erf);
	v0 =	vadd.f32 v42, v0;
	(erf) = vpow2.f32 v50  }
0xfb: {  	[tilespmem:$0x1FF80] =	vst v44;
	v13 =	vld [tilespmem:s17+$0x4100];
	v43 =	vpop (erf)  }
0xfc: {  	[tilespmem:$0x1FF70] =	vst v2;
	v15 =	vld [tilespmem:s17+$0x4080];
	v1 =	vpop (erf);
	v2 =	vmul.f32 $1.442695020e+00, v3;
	(erf) = vpow2.f32 v61;
	v0 =	vadd.f32 v43, v0  }
0xfd: {  	v48 =	vmul.f32 $1.442695020e+00, v10;
	v52 =	vmul.f32 $1.442695020e+00, v14;
	[tilespmem:$0x1FFE0] =	vst v1;
	v1 =	vld [tilespmem:s17+$0x1A80];
	v44 =	vpop (erf)  }
0xfe: {  	[tilespmem:$0x1FF60] =	vst v46;
	v56 =	vld [tilespmem:s17+$0x3300];
	v50 =	vmul.f32 $1.442695020e+00, v60;
	(erf) = vpow2.f32 v2;
	v0 =	vadd.f32 v44, v0  }
0xff: {  	[tilespmem:$0x1FF40] =	vst v48;
	v53 =	vmul.f32 $1.442695020e+00, v12;
	v49 =	vmul.f32 $1.442695020e+00, v5;
	v2 =	vld [tilespmem:s17+$0x1B00];
	v46 =	vpop (erf)  }
0x100: {  	v20 =	vld [tilespmem:s17+$0x4000];
	[tilespmem:$0x1FF20] =	vst v52;
	(erf) = vpow2.f32 v50;
	v0 =	vadd.f32 v46, v0;
	v3 =	vpop (erf)  }
0x101: {  	v52 =	vld [tilespmem:s17+$0x1B80];
	[tilespmem:$0x1FF30] =	vst v53;
	v48 =	vpop (erf)  }
0x102: {  	v23 =	vld [tilespmem:s17+$0x3B80];
	v1 =	vmul.f32 $1.442695020e+00, v1;
	[tilespmem:$0x1FFD0] =	vst v3;
	(erf) = vpow2.f32 v58;
	v0 =	vadd.f32 v48, v0;
	v3 =	vpop (erf)  }
0x103: {  	v10 =	vmul.f32 $1.442695020e+00, v13;
	v53 =	vld [tilespmem:s17+$0x2000];
	[tilespmem:$0x1FF50] =	vst v49;
	v49 =	vpop (erf)  }
0x104: {  	v13 =	vld [tilespmem:s17+$0x3100];
	v2 =	vmul.f32 $1.442695020e+00, v2;
	(erf) = vpow2.f32 v1;
	v0 =	vadd.f32 v49, v0  }
0x105: {  	v30 =	vmul.f32 $1.442695020e+00, v30;
	v1 =	vld [tilespmem:s17+$0x2080];
	v50 =	vpop (erf)  }
0x106: {  	v55 =	vld [tilespmem:s17+$0x3800];
	v58 =	vmul.f32 $1.442695020e+00, v52;
	(erf) = vpow2.f32 v2;
	v0 =	vadd.f32 v50, v0  }
0x107: {  	v47 =	vmul.f32 $1.442695020e+00, v47;
	v4 =	vmul.f32 $1.442695020e+00, v4;
	v54 =	vld [tilespmem:s17+$0x3380];
	v52 =	vpop (erf)  }
0x108: {  	v59 =	vld [tilespmem:s17+$0x3200];
	v61 =	vmul.f32 $1.442695020e+00, v53;
	(erf) = vpow2.f32 v58;
	v0 =	vadd.f32 v52, v0  }
0x109: {  	v33 =	vmul.f32 $1.442695020e+00, v41;
	v41 =	vmul.f32 $1.442695020e+00, v45;
	v2 =	vld [tilespmem:s17+$0x2100];
	v53 =	vpop (erf)  }
0x10a: {  	[tilespmem:$0x1FFC0] =	vst v3;
	v3 =	vld [tilespmem:s17+$0x2180];
	v1 =	vmul.f32 $1.442695020e+00, v1;
	(erf) = vpow2.f32 v61;
	v0 =	vadd.f32 v53, v0  }
0x10b: {  	v45 =	vmul.f32 $1.442695020e+00, v51;
	v51 =	vmul.f32 $1.442695020e+00, v55;
	v11 =	vld [tilespmem:s17+$0x2200];
	v55 =	vpop (erf)  }
0x10c: {  	s12 =	sadd.s32 $0x10, s12;
	v7 =	vmul.f32 $1.442695020e+00, v7;
	v5 =	vld [tilespmem:s17+$0x2280];
	(erf) = vpow2.f32 v1;
	v0 =	vadd.f32 v55, v0  }
0x10d: {  	v14 =	vmul.f32 $1.442695020e+00, v13;
	v13 =	vld [tilespmem:s12+$0x0];
	v58 =	vmul.f32 $1.442695020e+00, v56;
	v56 =	vpop (erf)  }
0x10e: {  	[tilespmem:$0x1FFF0] =	vst v62;
	v62 =	vld [tilespmem:s17+$0x3080];
	v16 =	vmul.f32 $1.442695020e+00, v59;
	v2 =	vmul.f32 $1.442695020e+00, v2;
	v0 =	vadd.f32 v56, v0  }
0x10f: {  	v59 =	vld [tilespmem:s17+$0x2980];
	v61 =	vmul.f32 $1.442695020e+00, v57;
	v1 =	vmul.f32 $1.442695020e+00, v3;
	v57 =	vpop (erf)  }
0x110: {  	[tilespmem:$0x1FF90] =	vst v4;
	v4 =	vmul.f32 $1.442695020e+00, v11;
	(erf) = vpow2.f32 v2;
	v2 =	vld [tilespmem:s17+$0x2300];
	v0 =	vadd.f32 v57, v0  }
0x111: {  	v60 =	vld [tilespmem:s17+$0x3180];
	v5 =	vmul.f32 $1.442695020e+00, v5;
	(erf) = vpow2.f32 v1;
	v11 =	vpop (erf)  }
0x112: {  	v23 =	vmul.f32 $1.442695020e+00, v23;
	v1 =	vld [tilespmem:s17+$0x2380];
	(erf) = vpow2.f32 v4;
	v0 =	vadd.f32 v11, v0  }
0x113: {  	[tilespmem:$0x1FF10] =	vst v10;
	v20 =	vmul.f32 $1.442695020e+00, v20;
	v54 =	vmul.f32 $1.442695020e+00, v54;
	vm0 =	veq.s32 v13, $0x0;
	v4 =	vld [tilespmem:s17+$0x2800];
	v10 =	vpop (erf)  }
0x114: {  	v9 =	vmul.f32 $1.442695020e+00, v15;
	v12 =	vmul.f32 $1.442695020e+00, v62;
	v62 =	vld [tilespmem:s17+$0x2880];
	v0 =	vadd.f32 v10, v0  }
0x115: {  	vm8 =	veq.s32 v13, $0x1;
	v2 =	vmul.f32 $1.442695020e+00, v2;
	(erf) = vpow2.f32 v5;
	v5 =	vpop (erf)  }
0x116: {  	[tilespmem:$0x1FF00] =	vst v9;
	v9 =	vmul.f32 $1.442695020e+00, v63;
	v15 =	vmul.f32 $1.442695020e+00, v60;
	v0 =	vadd.f32 v5, v0  }
0x117: {  	vm9 =	veq.s32 v13, $0x2;
	v1 =	vmul.f32 $1.442695020e+00, v1;
	(erf) = vpow2.f32 v2  }
0x118: {  	vm10 =	veq.s32 v13, $0x3;
	v2 =	vmul.f32 $1.442695020e+00, v59;
	v4 =	vmul.f32 $1.442695020e+00, v4  }
0x119: {  	vm11 =	veq.s32 v13, $0x4;
	v63 =	vpop (erf);
	(erf) = vpow2.f32 v1;
	v1 =	vmul.f32 $1.442695020e+00, v62  }
0x11a: {  	v60 =	vld [tilespmem:s17+$0x2900];
	v62 =	vnsel vm0, $0x0, v17;
	v59 =	vadd.f32 v63, v0;
	v0 =	vpop (erf);
	(erf) = vpow2.f32 v4  }
0x11b: {  	vm12 =	veq.s32 v13, $0x5;
	v17 =	vpop (erf);
	(erf) = vpow2.f32 v1;
	v1 =	vsel vm8, v18, v62  }
0x11c: {  	vm13 =	veq.s32 v13, $0x6;
	vm14 =	veq.s32 v13, $0x7;
	v38 =	vld [tilespmem:s17+$0x3A00];
	v1 =	vsel vm9, v19, v1  }
0x11d: {  	vm15 =	veq.s32 v13, $0x8;
	v3 =	vld [tilespmem:s17+$0x2A00];
	v59 =	vadd.f32 v0, v59;
	v1 =	vsel vm10, v21, v1  }
0x11e: {  	vm4 =	veq.s32 v13, $0x9;
	vm5 =	veq.s32 v13, $0xA;
	v6 =	vld [tilespmem:s17+$0x2A80];
	v1 =	vsel vm11, v22, v1  }
0x11f: {  	v8 =	vld [tilespmem:s17+$0x2B00];
	v60 =	vmul.f32 $1.442695020e+00, v60;
	v62 =	vadd.f32 v17, v59;
	v1 =	vsel vm12, v24, v1  }
0x120: {  	vm6 =	veq.s32 v13, $0xB;
	vm7 =	veq.s32 v13, $0xC;
	v18 =	vpop (erf);
	v1 =	vsel vm13, v25, v1  }
0x121: {  	(erf) = vpow2.f32 v60;
	v4 =	vadd.f32 v18, v62;
	v1 =	vsel vm14, v26, v1  }
0x122: {  	v38 =	vmul.f32 $1.442695020e+00, v38;
	v3 =	vmul.f32 $1.442695020e+00, v3;
	v19 =	vpop (erf);
	v1 =	vsel vm15, v27, v1  }
0x123: {  	(erf) = vpow2.f32 v2;
	v2 =	vadd.f32 v19, v4;
	v1 =	vsel vm4, v28, v1  }
0x124: {  	v6 =	vmul.f32 $1.442695020e+00, v6;
	v8 =	vmul.f32 $1.442695020e+00, v8;
	v21 =	vpop (erf);
	v1 =	vsel vm5, v29, v1  }
0x125: {  	(erf) = vpow2.f32 v3;
	v2 =	vadd.f32 v21, v2;
	v1 =	vsel vm6, v31, v1  }
0x126: {  	vm8 =	veq.s32 v13, $0xD;
	vm9 =	veq.s32 v13, $0xE;
	v59 =	vpop (erf);
	v1 =	vsel vm7, v32, v1  }
0x127: {  	(erf) = vpow2.f32 v6;
	v2 =	vadd.f32 v59, v2;
	v1 =	vsel vm8, v34, v1  }
0x128: {  	vm10 =	veq.s32 v13, $0xF;
	vm11 =	veq.s32 v13, $0x10;
	v60 =	vpop (erf);
	v1 =	vsel vm9, v35, v1  }
0x129: {  	(erf) = vpow2.f32 v8;
	v2 =	vadd.f32 v60, v2;
	v1 =	vsel vm10, v36, v1  }
0x12a: {  	vm12 =	veq.s32 v13, $0x11;
	vm13 =	veq.s32 v13, $0x12;
	v62 =	vpop (erf);
	v1 =	vsel vm11, v37, v1  }
0x12b: {  	(erf) = vpow2.f32 v7;
	v2 =	vadd.f32 v62, v2;
	v1 =	vsel vm12, v39, v1  }
0x12c: {  	vm14 =	veq.s32 v13, $0x13;
	vm15 =	veq.s32 v13, $0x14;
	v28 =	vpop (erf);
	v1 =	vsel vm13, v40, v1  }
0x12d: {  	(erf) = vpow2.f32 v9;
	v2 =	vadd.f32 v28, v2;
	v1 =	vsel vm14, v42, v1  }
0x12e: {  	vm4 =	veq.s32 v13, $0x15;
	vm5 =	veq.s32 v13, $0x16;
	v3 =	vpop (erf);
	v1 =	vsel vm15, v43, v1  }
0x12f: {  	(erf) = vpow2.f32 v12;
	v2 =	vadd.f32 v3, v2;
	v1 =	vsel vm4, v44, v1  }
0x130: {  	vm6 =	veq.s32 v13, $0x17;
	vm7 =	veq.s32 v13, $0x18;
	v29 =	vpop (erf);
	v1 =	vsel vm5, v46, v1  }
0x131: {  	(erf) = vpow2.f32 v14;
	v2 =	vadd.f32 v29, v2;
	v1 =	vsel vm6, v48, v1  }
0x132: {  	vm8 =	veq.s32 v13, $0x19;
	vm9 =	veq.s32 v13, $0x1A;
	v31 =	vpop (erf);
	v1 =	vsel vm7, v49, v1  }
0x133: {  	(erf) = vpow2.f32 v15;
	v2 =	vadd.f32 v31, v2;
	v1 =	vsel vm8, v50, v1  }
0x134: {  	vm10 =	veq.s32 v13, $0x1B;
	vm11 =	veq.s32 v13, $0x1C;
	v7 =	vpop (erf);
	v1 =	vsel vm9, v52, v1  }
0x135: {  	(erf) = vpow2.f32 v16;
	v2 =	vadd.f32 v7, v2;
	v1 =	vsel vm10, v53, v1  }
0x136: {  	vm12 =	veq.s32 v13, $0x1D;
	vm13 =	veq.s32 v13, $0x1E;
	v32 =	vpop (erf);
	v1 =	vsel vm11, v55, v1  }
0x137: {  	(erf) = vpow2.f32 v61;
	v2 =	vadd.f32 v32, v2;
	v1 =	vsel vm12, v56, v1  }
0x138: {  	vm14 =	veq.s32 v13, $0x1F;
	vm15 =	veq.s32 v13, $0x20;
	v34 =	vpop (erf);
	v1 =	vsel vm13, v57, v1  }
0x139: {  	(erf) = vpow2.f32 v58;
	v2 =	vadd.f32 v34, v2;
	v1 =	vsel vm14, v11, v1  }
0x13a: {  	vm4 =	veq.s32 v13, $0x21;
	vm5 =	veq.s32 v13, $0x22;
	v35 =	vpop (erf);
	v1 =	vsel vm15, v10, v1  }
0x13b: {  	(erf) = vpow2.f32 v54;
	v2 =	vadd.f32 v35, v2;
	v1 =	vsel vm4, v5, v1  }
0x13c: {  	vm6 =	veq.s32 v13, $0x23;
	vm7 =	veq.s32 v13, $0x24;
	v36 =	vpop (erf);
	v1 =	vsel vm5, v63, v1  }
0x13d: {  	(erf) = vpow2.f32 v51;
	v2 =	vadd.f32 v36, v2;
	v0 =	vsel vm6, v0, v1  }
0x13e: {  	vm8 =	veq.s32 v13, $0x25;
	vm9 =	veq.s32 v13, $0x26;
	v37 =	vpop (erf);
	v0 =	vsel vm7, v17, v0  }
0x13f: {  	(erf) = vpow2.f32 v47;
	v39 =	vadd.f32 v37, v2;
	v0 =	vsel vm8, v18, v0  }
0x140: {  	vm10 =	veq.s32 v13, $0x27;
	vm11 =	veq.s32 v13, $0x28;
	v40 =	vpop (erf);
	v0 =	vsel vm9, v19, v0  }
0x141: {  	(erf) = vpow2.f32 v45;
	v1 =	vadd.f32 v40, v39;
	v0 =	vsel vm10, v21, v0  }
0x142: {  	vm12 =	veq.s32 v13, $0x29;
	vm13 =	veq.s32 v13, $0x2A;
	v2 =	vpop (erf);
	v0 =	vsel vm11, v59, v0  }
0x143: {  	(erf) = vpow2.f32 v41;
	v1 =	vadd.f32 v2, v1;
	v0 =	vsel vm12, v60, v0  }
0x144: {  	vm14 =	veq.s32 v13, $0x2B;
	vm15 =	veq.s32 v13, $0x2C;
	v41 =	vpop (erf);
	v0 =	vsel vm13, v62, v0  }
0x145: {  	(erf) = vpow2.f32 v38;
	v1 =	vadd.f32 v41, v1;
	v0 =	vsel vm14, v28, v0  }
0x146: {  	vm4 =	veq.s32 v13, $0x2D;
	vm5 =	veq.s32 v13, $0x2E;
	v42 =	vpop (erf);
	v0 =	vsel vm15, v3, v0  }
0x147: {  	(erf) = vpow2.f32 v33;
	v1 =	vadd.f32 v42, v1;
	v0 =	vsel vm4, v29, v0  }
0x148: {  	vm6 =	veq.s32 v13, $0x2F;
	vm7 =	veq.s32 v13, $0x30;
	v43 =	vpop (erf);
	v0 =	vsel vm5, v31, v0  }
0x149: {  	(erf) = vpow2.f32 v30;
	v1 =	vadd.f32 v43, v1;
	v0 =	vsel vm6, v7, v0  }
0x14a: {  	v46 =	vld [tilespmem:$0x1FF00];
	vm8 =	veq.s32 v13, $0x31;
	vm9 =	veq.s32 v13, $0x32;
	v44 =	vpop (erf);
	v0 =	vsel vm7, v32, v0  }
0x14b: {  	(erf) = vpow2.f32 v23;
	v1 =	vadd.f32 v44, v1;
	v0 =	vsel vm8, v34, v0  }
0x14c: {  	v48 =	vld [tilespmem:$0x1FF10];
	vm10 =	veq.s32 v13, $0x33;
	vm11 =	veq.s32 v13, $0x34;
	v3 =	vpop (erf);
	v0 =	vsel vm9, v35, v0  }
0x14d: {  	(erf) = vpow2.f32 v20;
	v1 =	vadd.f32 v3, v1;
	v0 =	vsel vm10, v36, v0  }
0x14e: {  	v50 =	vld [tilespmem:$0x1FF20];
	vm12 =	veq.s32 v13, $0x35;
	vm13 =	veq.s32 v13, $0x36;
	v45 =	vpop (erf);
	v0 =	vsel vm11, v37, v0  }
0x14f: {  	(erf) = vpow2.f32 v46;
	v1 =	vadd.f32 v45, v1;
	v0 =	vsel vm12, v40, v0  }
0x150: {  	v47 =	vpop (erf);
	v0 =	vsel vm13, v2, v0;
	v2 =	vld [tilespmem:$0x1FF30]  }
0x151: {  	vm14 =	veq.s32 v13, $0x37;
	(erf) = vpow2.f32 v48;
	v1 =	vadd.f32 v47, v1  }
0x152: {  	v52 =	vld [tilespmem:$0x1FF40];
	vm15 =	veq.s32 v13, $0x38;
	vm4 =	veq.s32 v13, $0x39;
	v49 =	vpop (erf);
	v0 =	vsel vm14, v41, v0  }
0x153: {  	(erf) = vpow2.f32 v50;
	v1 =	vadd.f32 v49, v1;
	v0 =	vsel vm15, v42, v0  }
0x154: {  	v54 =	vld [tilespmem:$0x1FF50];
	vm5 =	veq.s32 v13, $0x3A;
	vm6 =	veq.s32 v13, $0x3B;
	v51 =	vpop (erf);
	v0 =	vsel vm4, v43, v0  }
0x155: {  	v1 =	vadd.f32 v51, v1;
	v0 =	vsel vm5, v44, v0;
	(erf) = vpow2.f32 v2  }
0x156: {  	vm7 =	veq.s32 v13, $0x3C;
	vm8 =	veq.s32 v13, $0x3D;
	v2 =	vpop (erf);
	v0 =	vsel vm6, v3, v0  }
0x157: {  	(erf) = vpow2.f32 v52;
	v1 =	vadd.f32 v2, v1;
	v0 =	vsel vm7, v45, v0  }
0x158: {  	vm9 =	veq.s32 v13, $0x3E;
	vm10 =	veq.s32 v13, $0x3F;
	v53 =	vpop (erf);
	v0 =	vsel vm8, v47, v0  }
0x159: {  	v55 =	vld [tilespmem:$0x1FF60];
	(erf) = vpow2.f32 v54;
	v1 =	vadd.f32 v53, v1;
	v0 =	vsel vm9, v49, v0  }
0x15a: {  	v57 =	vld [tilespmem:$0x1FF70];
	vm11 =	veq.s32 v13, $0x40;
	v3 =	vpop (erf);
	v0 =	vsel vm10, v51, v0  }
0x15b: {  	vm12 =	veq.s32 v13, $0x41;
	v1 =	vadd.f32 v3, v1;
	v0 =	vsel vm11, v2, v0;
	v2 =	vld [tilespmem:$0x1FF80]  }
0x15c: {  	vm13 =	veq.s32 v13, $0x42;
	v56 =	vpop (erf);
	v0 =	vsel vm12, v53, v0  }
0x15d: {  	v1 =	vadd.f32 v56, v1;
	v0 =	vsel vm13, v3, v0;
	v3 =	vld [tilespmem:$0x1FF90]  }
0x15e: {  	(erf) = vpow2.f32 v55;
	v58 =	vpop (erf)  }
0x15f: {  	vm14 =	veq.s32 v13, $0x43;
	(erf) = vpow2.f32 v57;
	v1 =	vadd.f32 v58, v1  }
0x160: {  	vm15 =	veq.s32 v13, $0x44;
	v0 =	vsel vm14, v56, v0;
	(erf) = vpow2.f32 v2;
	v2 =	vpop (erf)  }
0x161: {  	vm4 =	veq.s32 v13, $0x45;
	v0 =	vsel vm15, v58, v0;
	v1 =	vadd.f32 v2, v1  }
0x162: {  	v59 =	vld [tilespmem:$0x1FFA0];
	vm5 =	veq.s32 v13, $0x46;
	v0 =	vsel vm4, v2, v0;
	(erf) = vpow2.f32 v3;
	v3 =	vpop (erf)  }
0x163: {  	v0 =	vsel vm5, v3, v0;
	v1 =	vadd.f32 v3, v1;
	v3 =	vld [tilespmem:$0x1FFB0];
	_ =	sdelay $0x3  }
0x164: {  	(erf) = vpow2.f32 v59  }
0x165: {  	v2 =	vpop (erf);
	(erf) = vpow2.f32 v3;
	v3 =	vld [tilespmem:$0x1FFC0];
	_ =	sdelay $0x1  }
0x166: {  	v60 =	vld [tilespmem:$0x1FFD0];
	vm6 =	veq.s32 v13, $0x47  }
0x167: {  	vm7 =	veq.s32 v13, $0x48;
	v0 =	vsel vm6, v2, v0;
	v1 =	vadd.f32 v2, v1;
	v2 =	vpop (erf)  }
0x168: {  	v61 =	vld [tilespmem:$0x1FFE0];
	vm8 =	veq.s32 v13, $0x49;
	v0 =	vsel vm7, v2, v0  }
0x169: {  	vm9 =	veq.s32 v13, $0x4A;
	v1 =	vadd.f32 v2, v1;
	v2 =	vpop (erf);
	v0 =	vsel vm8, v3, v0  }
0x16a: {  	v62 =	vld [tilespmem:$0x1FFF0];
	vm10 =	veq.s32 v13, $0x4B;
	v0 =	vsel vm9, v2, v0  }
0x16b: {  	vm11 =	veq.s32 v13, $0x4C;
	v1 =	vadd.f32 v3, v1;
	v3 =	vpop (erf);
	v0 =	vsel vm10, v60, v0  }
0x16c: {  	vm12 =	veq.s32 v13, $0x4D;
	v0 =	vsel vm11, v3, v0  }
0x16d: {  	vm13 =	veq.s32 v13, $0x4E;
	v1 =	vadd.f32 v2, v1;
	v2 =	vpop (erf);
	v0 =	vsel vm12, v61, v0  }
0x16e: {  	vm14 =	veq.s32 v13, $0x4F;
	v0 =	vsel vm13, v2, v0  }
0x16f: {  	vm15 =	veq.s32 v13, $0x50;
	v1 =	vadd.f32 v60, v1;
	v63 =	vpop (erf);
	v0 =	vsel vm14, v62, v0  }
0x170: {  	v0 =	vsel vm15, v63, v0  }
0x171: {  	v1 =	vadd.f32 v3, v1;
	(erf) = vrcp.f32 v0;
	_ =	sdelay $0x1  }
0x172: {  	v0 =	vadd.f32 v61, v1;
	_ =	sdelay $0x1  }
0x173: {  	v0 =	vadd.f32 v2, v0  }
0x174: {  	p0 =	sne.s32 s16, $0xF0  }
.Ltmp0:
0x175: {  	v0 =	vadd.f32 v62, v0;
	(pc) =	sbr.rel @p0 .LBB2_2-.Ltmp0, $4  }
0x176: {  	_ = 	snop  }
0x177: {  	v0 =	vadd.f32 v63, v0  }
0x178: {  	s14 =	smov.u32 s16;
	s15 =	sadd.s32 $0x80, s15;
	s16 =	sadd.s32 $0x10, s16;
	v1 =	vpop (erf)  }
0x179: {  	s13 =	sadd.s32 $0x10, s13;
	s18 =	sand.u32 $0x400, s15;
	s17 =	sand.u32 $0x70, s14;
	v0 =	vmul.f32 v1, v0  }
0x17a: {  	_ = 	snop  }
0x17b: {  	s16 =	sor.u32 s17, s18;
	[tilespmem:s13+$0x0] =	vst v0  }
0x17c: {  	v0 =	vld [tilespmem:s16+$0x0];
	_ =	sdelay $0x1  }
0x17d: {  	v1 =	vld [tilespmem:s16+$0x80];
	_ =	sdelay $0x1  }
0x17e: {  	v2 =	vld [tilespmem:s16+$0x100]  }
0x17f: {  	v0 =	vmul.f32 $1.442695020e+00, v0  }
0x180: {  	v3 =	vld [tilespmem:s16+$0x180]  }
0x181: {  	v1 =	vmul.f32 $1.442695020e+00, v1;
	(erf) = vpow2.f32 v0  }
0x182: {  	v25 =	vld [tilespmem:s16+$0x200]  }
0x183: {  	v2 =	vmul.f32 $1.442695020e+00, v2;
	(erf) = vpow2.f32 v1  }
0x184: {  	v26 =	vld [tilespmem:s16+$0x280]  }
0x185: {  	v3 =	vmul.f32 $1.442695020e+00, v3;
	(erf) = vpow2.f32 v2  }
0x186: {  	s14 =	sor.u32 s15, s14;
	v27 =	vld [tilespmem:s16+$0x300]  }
0x187: {  	s14 =	sor.u32 $0x380, s14;
	v0 =	vmul.f32 $1.442695020e+00, v25;
	(erf) = vpow2.f32 v3  }
0x188: {  	v28 =	vld [tilespmem:s14+$0x0]  }
0x189: {  	v1 =	vmul.f32 $1.442695020e+00, v26;
	(erf) = vpow2.f32 v0  }
0x18a: {  	v29 =	vld [tilespmem:s16+$0x800];
	v5 =	vpop (erf)  }
0x18b: {  	v2 =	vmul.f32 $1.442695020e+00, v27;
	(erf) = vpow2.f32 v1;
	v4 =	vadd.f32 $0.0e+00, v5  }
0x18c: {  	v30 =	vld [tilespmem:s16+$0x880];
	v9 =	vpop (erf)  }
0x18d: {  	v3 =	vmul.f32 $1.442695020e+00, v28;
	(erf) = vpow2.f32 v2;
	v4 =	vadd.f32 v9, v4  }
0x18e: {  	v31 =	vld [tilespmem:s16+$0x900];
	v7 =	vpop (erf)  }
0x18f: {  	v0 =	vmul.f32 $1.442695020e+00, v29;
	(erf) = vpow2.f32 v3;
	v4 =	vadd.f32 v7, v4  }
0x190: {  	v32 =	vld [tilespmem:s16+$0x980];
	v6 =	vpop (erf)  }
0x191: {  	v1 =	vmul.f32 $1.442695020e+00, v30;
	(erf) = vpow2.f32 v0;
	v4 =	vadd.f32 v6, v4  }
0x192: {  	v33 =	vld [tilespmem:s16+$0xA00];
	v8 =	vpop (erf)  }
0x193: {  	v2 =	vmul.f32 $1.442695020e+00, v31;
	(erf) = vpow2.f32 v1;
	v4 =	vadd.f32 v8, v4  }
0x194: {  	v34 =	vld [tilespmem:s16+$0xA80];
	v10 =	vpop (erf)  }
0x195: {  	v3 =	vmul.f32 $1.442695020e+00, v32;
	(erf) = vpow2.f32 v2;
	v4 =	vadd.f32 v10, v4  }
0x196: {  	v35 =	vld [tilespmem:s16+$0xB00];
	v11 =	vpop (erf)  }
0x197: {  	v0 =	vmul.f32 $1.442695020e+00, v33;
	(erf) = vpow2.f32 v3;
	v4 =	vadd.f32 v11, v4  }
0x198: {  	v36 =	vld [tilespmem:s16+$0xB80];
	v13 =	vpop (erf)  }
0x199: {  	v1 =	vmul.f32 $1.442695020e+00, v34;
	(erf) = vpow2.f32 v0;
	v4 =	vadd.f32 v13, v4  }
0x19a: {  	v37 =	vld [tilespmem:s16+$0x1000];
	v15 =	vpop (erf)  }
0x19b: {  	v2 =	vmul.f32 $1.442695020e+00, v35;
	(erf) = vpow2.f32 v1;
	v4 =	vadd.f32 v15, v4  }
0x19c: {  	v38 =	vld [tilespmem:s16+$0x1080];
	v14 =	vpop (erf)  }
0x19d: {  	v3 =	vmul.f32 $1.442695020e+00, v36;
	(erf) = vpow2.f32 v2;
	v4 =	vadd.f32 v14, v4  }
0x19e: {  	v39 =	vld [tilespmem:s16+$0x1100];
	v16 =	vpop (erf)  }
0x19f: {  	v0 =	vmul.f32 $1.442695020e+00, v37;
	(erf) = vpow2.f32 v3;
	v4 =	vadd.f32 v16, v4  }
0x1a0: {  	v40 =	vld [tilespmem:s16+$0x1180];
	v12 =	vpop (erf)  }
0x1a1: {  	v19 =	vld [tilespmem:s16+$0x4B80];
	v1 =	vmul.f32 $1.442695020e+00, v38;
	(erf) = vpow2.f32 v0;
	v4 =	vadd.f32 v12, v4  }
0x1a2: {  	v41 =	vld [tilespmem:s16+$0x1200];
	v17 =	vpop (erf)  }
0x1a3: {  	v20 =	vld [tilespmem:s16+$0x4A80];
	v2 =	vmul.f32 $1.442695020e+00, v39;
	(erf) = vpow2.f32 v1;
	v4 =	vadd.f32 v17, v4  }
0x1a4: {  	v42 =	vld [tilespmem:s16+$0x1280];
	v18 =	vpop (erf)  }
0x1a5: {  	v43 =	vld [tilespmem:s16+$0x1300];
	v3 =	vmul.f32 $1.442695020e+00, v40;
	(erf) = vpow2.f32 v2;
	v4 =	vadd.f32 v18, v4  }
0x1a6: {  	v22 =	vld [tilespmem:s16+$0x4980];
	v21 =	vmul.f32 $1.442695020e+00, v19;
	v19 =	vpop (erf)  }
0x1a7: {  	v44 =	vld [tilespmem:s16+$0x1380];
	v0 =	vmul.f32 $1.442695020e+00, v41;
	(erf) = vpow2.f32 v3;
	v4 =	vadd.f32 v19, v4  }
0x1a8: {  	v45 =	vld [tilespmem:s16+$0x1800];
	v23 =	vmul.f32 $1.442695020e+00, v20;
	(erf) = vpow2.f32 v21;
	v20 =	vpop (erf)  }
0x1a9: {  	v24 =	vld [tilespmem:s16+$0x4880];
	v1 =	vmul.f32 $1.442695020e+00, v42;
	(erf) = vpow2.f32 v0;
	v4 =	vadd.f32 v20, v4  }
0x1aa: {  	v46 =	vld [tilespmem:s16+$0x1880];
	(erf) = vpow2.f32 v23;
	v21 =	vpop (erf)  }
0x1ab: {  	v26 =	vld [tilespmem:s16+$0x1900];
	v2 =	vmul.f32 $1.442695020e+00, v43;
	(erf) = vpow2.f32 v1;
	v4 =	vadd.f32 v21, v4  }
0x1ac: {  	v25 =	vmul.f32 $1.442695020e+00, v22;
	v3 =	vmul.f32 $1.442695020e+00, v44;
	v22 =	vpop (erf)  }
0x1ad: {  	v0 =	vmul.f32 $1.442695020e+00, v45;
	(erf) = vpow2.f32 v2;
	v4 =	vadd.f32 v22, v4  }
0x1ae: {  	v47 =	vld [tilespmem:s16+$0x1980];
	v27 =	vmul.f32 $1.442695020e+00, v24;
	(erf) = vpow2.f32 v25;
	v23 =	vpop (erf)  }
0x1af: {  	v48 =	vld [tilespmem:s16+$0x1A80];
	v1 =	vmul.f32 $1.442695020e+00, v46;
	(erf) = vpow2.f32 v3;
	v4 =	vadd.f32 v23, v4  }
0x1b0: {  	v49 =	vld [tilespmem:s16+$0x1B00];
	v26 =	vmul.f32 $1.442695020e+00, v26;
	(erf) = vpow2.f32 v27;
	v24 =	vpop (erf)  }
0x1b1: {  	v28 =	vld [tilespmem:s16+$0x1A00];
	(erf) = vpow2.f32 v0;
	v0 =	vpop (erf);
	v4 =	vadd.f32 v24, v4  }
0x1b2: {  	v55 =	vld [tilespmem:s16+$0x2300];
	v25 =	vpop (erf)  }
0x1b3: {  	v29 =	vld [tilespmem:s16+$0x1B80];
	(erf) = vpow2.f32 v1;
	v1 =	vpop (erf);
	v4 =	vadd.f32 v25, v4  }
0x1b4: {  	v57 =	vld [tilespmem:s16+$0x2380];
	(erf) = vpow2.f32 v26;
	v26 =	vpop (erf)  }
0x1b5: {  	v30 =	vld [tilespmem:s16+$0x2000];
	v2 =	vmul.f32 $1.442695020e+00, v47;
	v51 =	vadd.f32 v26, v4  }
0x1b6: {  	v31 =	vld [tilespmem:s16+$0x2080];
	v28 =	vmul.f32 $1.442695020e+00, v28;
	v27 =	vpop (erf)  }
0x1b7: {  	v50 =	vmul.f32 $1.442695020e+00, v48;
	v33 =	vld [tilespmem:s16+$0x2180];
	v3 =	vadd.f32 v27, v51  }
0x1b8: {  	v32 =	vld [tilespmem:s16+$0x2100];
	v29 =	vmul.f32 $1.442695020e+00, v29;
	(erf) = vpow2.f32 v2  }
0x1b9: {  	v52 =	vmul.f32 $1.442695020e+00, v49;
	v34 =	vld [tilespmem:s16+$0x2200];
	(erf) = vpow2.f32 v28;
	v2 =	vpop (erf)  }
0x1ba: {  	v53 =	vmul.f32 $1.442695020e+00, v30;
	v35 =	vld [tilespmem:s16+$0x2280];
	(erf) = vpow2.f32 v50;
	v28 =	vpop (erf)  }
0x1bb: {  	v54 =	vmul.f32 $1.442695020e+00, v31;
	v37 =	vld [tilespmem:s16+$0x2800];
	(erf) = vpow2.f32 v52;
	v36 =	vadd.f32 v28, v3;
	v3 =	vpop (erf)  }
0x1bc: {  	s12 =	sadd.s32 $0x10, s12;
	v33 =	vmul.f32 $1.442695020e+00, v33;
	v38 =	vld [tilespmem:s16+$0x2880];
	(erf) = vpow2.f32 v29;
	v29 =	vpop (erf)  }
0x1bd: {  	v56 =	vmul.f32 $1.442695020e+00, v32;
	(erf) = vpow2.f32 v53;
	v4 =	vld [tilespmem:s12+$0x0];
	v36 =	vadd.f32 v29, v36  }
0x1be: {  	v39 =	vld [tilespmem:s16+$0x2900];
	(erf) = vpow2.f32 v54;
	v30 =	vpop (erf)  }
0x1bf: {  	v41 =	vld [tilespmem:s16+$0x2A00];
	(erf) = vpow2.f32 v56;
	v36 =	vadd.f32 v30, v36  }
0x1c0: {  	v58 =	vmul.f32 $1.442695020e+00, v55;
	(erf) = vpow2.f32 v33;
	v33 =	vpop (erf)  }
0x1c1: {  	v59 =	vmul.f32 $1.442695020e+00, v57;
	v34 =	vmul.f32 $1.442695020e+00, v34;
	v52 =	vld [tilespmem:s16+$0x3080];
	v36 =	vadd.f32 v33, v36  }
0x1c2: {  	v35 =	vmul.f32 $1.442695020e+00, v35;
	v60 =	vmul.f32 $1.442695020e+00, v37;
	vm0 =	veq.s32 v4, $0x0;
	v31 =	vpop (erf)  }
0x1c3: {  	v63 =	vmul.f32 $1.442695020e+00, v38;
	v5 =	vnsel vm0, $0x0, v5;
	v62 =	vadd.f32 v31, v36  }
0x1c4: {  	v40 =	vmul.f32 $1.442695020e+00, v39;
	v45 =	vmul.f32 $1.442695020e+00, v41;
	v32 =	vpop (erf)  }
0x1c5: {  	vm8 =	veq.s32 v4, $0x1;
	(erf) = vpow2.f32 v34;
	v34 =	vadd.f32 v32, v62  }
0x1c6: {  	v57 =	vmul.f32 $1.442695020e+00, v52;
	vm9 =	veq.s32 v4, $0x2;
	v9 =	vsel vm8, v9, v5;
	v5 =	vpop (erf)  }
0x1c7: {  	vm10 =	veq.s32 v4, $0x3;
	v7 =	vsel vm9, v7, v9;
	v34 =	vadd.f32 v5, v34  }
0x1c8: {  	vm11 =	veq.s32 v4, $0x4;
	vm12 =	veq.s32 v4, $0x5;
	vm13 =	veq.s32 v4, $0x6;
	v42 =	vpop (erf)  }
0x1c9: {  	vm14 =	veq.s32 v4, $0x7;
	vm15 =	veq.s32 v4, $0x8;
	v34 =	vadd.f32 v42, v34  }
0x1ca: {  	vm4 =	veq.s32 v4, $0x9;
	vm5 =	veq.s32 v4, $0xA;
	v6 =	vsel vm10, v6, v7;
	v7 =	vpop (erf)  }
0x1cb: {  	v43 =	vld [tilespmem:s16+$0x2A80];
	vm6 =	veq.s32 v4, $0xB;
	v6 =	vsel vm11, v8, v6;
	v34 =	vadd.f32 v7, v34  }
0x1cc: {  	v61 =	vld [tilespmem:s16+$0x2980];
	vm7 =	veq.s32 v4, $0xC;
	vm8 =	veq.s32 v4, $0xD;
	v6 =	vsel vm12, v10, v6;
	v46 =	vpop (erf)  }
0x1cd: {  	v37 =	vld [tilespmem:s16+$0x3800];
	(erf) = vpow2.f32 v35;
	v6 =	vsel vm13, v11, v6;
	v48 =	vadd.f32 v46, v34  }
0x1ce: {  	vm9 =	veq.s32 v4, $0xE;
	vm10 =	veq.s32 v4, $0xF;
	v6 =	vsel vm14, v13, v6;
	v49 =	vpop (erf)  }
0x1cf: {  	v44 =	vld [tilespmem:s16+$0x2B00];
	(erf) = vpow2.f32 v58;
	v6 =	vsel vm15, v15, v6;
	v15 =	vadd.f32 v49, v48  }
0x1d0: {  	v8 =	vmul.f32 $1.442695020e+00, v43;
	vm11 =	veq.s32 v4, $0x10;
	v6 =	vsel vm4, v14, v6;
	v50 =	vpop (erf)  }
0x1d1: {  	v47 =	vld [tilespmem:s16+$0x2B80];
	(erf) = vpow2.f32 v59;
	v6 =	vsel vm5, v16, v6;
	v15 =	vadd.f32 v50, v15  }
0x1d2: {  	v43 =	vmul.f32 $1.442695020e+00, v37;
	v35 =	vmul.f32 $1.442695020e+00, v61;
	v6 =	vsel vm6, v12, v6;
	v53 =	vpop (erf)  }
0x1d3: {  	(erf) = vpow2.f32 v60;
	v6 =	vsel vm7, v17, v6;
	v15 =	vadd.f32 v53, v15  }
0x1d4: {  	v10 =	vmul.f32 $1.442695020e+00, v44;
	vm12 =	veq.s32 v4, $0x11;
	v6 =	vsel vm8, v18, v6;
	v55 =	vpop (erf)  }
0x1d5: {  	(erf) = vpow2.f32 v63;
	v6 =	vsel vm9, v19, v6;
	v15 =	vadd.f32 v55, v15  }
0x1d6: {  	v11 =	vmul.f32 $1.442695020e+00, v47;
	vm13 =	veq.s32 v4, $0x12;
	v58 =	vpop (erf);
	v6 =	vsel vm10, v20, v6  }
0x1d7: {  	(erf) = vpow2.f32 v40;
	v6 =	vsel vm11, v21, v6;
	v15 =	vadd.f32 v58, v15  }
0x1d8: {  	vm14 =	veq.s32 v4, $0x13;
	vm15 =	veq.s32 v4, $0x14;
	v59 =	vpop (erf);
	v6 =	vsel vm12, v22, v6  }
0x1d9: {  	v56 =	vld [tilespmem:s16+$0x3180];
	(erf) = vpow2.f32 v35;
	v6 =	vsel vm13, v23, v6;
	v15 =	vadd.f32 v59, v15  }
0x1da: {  	v51 =	vld [tilespmem:s16+$0x3000];
	vm4 =	veq.s32 v4, $0x15;
	vm5 =	veq.s32 v4, $0x16;
	v61 =	vpop (erf);
	v6 =	vsel vm14, v24, v6  }
0x1db: {  	v54 =	vld [tilespmem:s16+$0x3100];
	(erf) = vpow2.f32 v45;
	v6 =	vsel vm15, v25, v6;
	v15 =	vadd.f32 v61, v15  }
0x1dc: {  	vm6 =	veq.s32 v4, $0x17;
	vm7 =	veq.s32 v4, $0x18;
	v63 =	vpop (erf);
	v6 =	vsel vm4, v26, v6  }
0x1dd: {  	(erf) = vpow2.f32 v8;
	v6 =	vsel vm5, v27, v6;
	v15 =	vadd.f32 v63, v15  }
0x1de: {  	v18 =	vmul.f32 $1.442695020e+00, v56;
	vm8 =	veq.s32 v4, $0x19;
	v6 =	vsel vm6, v28, v6;
	v28 =	vpop (erf)  }
0x1df: {  	v45 =	vld [tilespmem:s16+$0x3980];
	(erf) = vpow2.f32 v10;
	v10 =	vmul.f32 $1.442695020e+00, v51;
	v15 =	vadd.f32 v28, v15  }
0x1e0: {  	vm9 =	veq.s32 v4, $0x1A;
	(erf) = vpow2.f32 v11;
	v11 =	vmul.f32 $1.442695020e+00, v54;
	v35 =	vpop (erf)  }
0x1e1: {  	v60 =	vld [tilespmem:s16+$0x3200];
	vm10 =	veq.s32 v4, $0x1B;
	v6 =	vsel vm7, v29, v6;
	v15 =	vadd.f32 v35, v15  }
0x1e2: {  	v62 =	vld [tilespmem:s16+$0x3280];
	(erf) = vpow2.f32 v10;
	vm11 =	veq.s32 v4, $0x1C;
	v6 =	vsel vm8, v30, v6;
	v36 =	vpop (erf)  }
0x1e3: {  	v51 =	vld [tilespmem:s16+$0x3A80];
	(erf) = vpow2.f32 v57;
	v6 =	vsel vm9, v33, v6;
	v15 =	vadd.f32 v36, v15  }
0x1e4: {  	vm12 =	veq.s32 v4, $0x1D;
	v13 =	vmul.f32 $1.442695020e+00, v45;
	v38 =	vpop (erf);
	v6 =	vsel vm10, v31, v6  }
0x1e5: {  	(erf) = vpow2.f32 v11;
	v6 =	vsel vm11, v32, v6;
	v15 =	vadd.f32 v38, v15  }
0x1e6: {  	v11 =	vmul.f32 $1.442695020e+00, v60;
	vm13 =	veq.s32 v4, $0x1E;
	v40 =	vpop (erf);
	v5 =	vsel vm12, v5, v6  }
0x1e7: {  	v34 =	vmul.f32 $1.442695020e+00, v62;
	v62 =	vld [tilespmem:s16+$0x4100];
	v5 =	vsel vm13, v42, v5;
	v42 =	vadd.f32 v40, v15  }
0x1e8: {  	(erf) = vpow2.f32 v18;
	vm14 =	veq.s32 v4, $0x1F;
	v56 =	vmul.f32 $1.442695020e+00, v51;
	v26 =	vld [tilespmem:s16+$0x3300];
	v44 =	vpop (erf)  }
0x1e9: {  	v24 =	vld [tilespmem:s16+$0x4180];
	(erf) = vpow2.f32 v11;
	vm15 =	veq.s32 v4, $0x20;
	v9 =	vadd.f32 v44, v42  }
0x1ea: {  	vm4 =	veq.s32 v4, $0x21;
	vm5 =	veq.s32 v4, $0x22;
	(erf) = vpow2.f32 v34;
	v29 =	vld [tilespmem:s16+$0x3380];
	v47 =	vpop (erf)  }
0x1eb: {  	vm6 =	veq.s32 v4, $0x23;
	v5 =	vsel vm14, v7, v5;
	v9 =	vadd.f32 v47, v9  }
0x1ec: {  	v41 =	vld [tilespmem:s16+$0x3900];
	v27 =	vmul.f32 $1.442695020e+00, v62;
	vm7 =	veq.s32 v4, $0x24;
	v48 =	vpop (erf);
	v5 =	vsel vm15, v46, v5  }
0x1ed: {  	v21 =	vmul.f32 $1.442695020e+00, v26;
	v5 =	vsel vm4, v49, v5;
	v9 =	vadd.f32 v48, v9  }
0x1ee: {  	v39 =	vld [tilespmem:s16+$0x3880];
	v8 =	vmul.f32 $1.442695020e+00, v24;
	vm8 =	veq.s32 v4, $0x25;
	v5 =	vsel vm5, v50, v5;
	v50 =	vpop (erf)  }
0x1ef: {  	v31 =	vld [tilespmem:s16+$0x4280];
	(erf) = vpow2.f32 v21;
	v23 =	vmul.f32 $1.442695020e+00, v29;
	v9 =	vadd.f32 v50, v9  }
0x1f0: {  	vm9 =	veq.s32 v4, $0x26;
	vm10 =	veq.s32 v4, $0x27;
	vm11 =	veq.s32 v4, $0x28;
	v52 =	vpop (erf)  }
0x1f1: {  	v6 =	vmul.f32 $1.442695020e+00, v41;
	(erf) = vpow2.f32 v23;
	v9 =	vadd.f32 v52, v9  }
0x1f2: {  	vm12 =	veq.s32 v4, $0x29;
	v29 =	vld [tilespmem:s16+$0x4200];
	vm13 =	veq.s32 v4, $0x2A;
	vm14 =	veq.s32 v4, $0x2B;
	v54 =	vpop (erf)  }
0x1f3: {  	(erf) = vpow2.f32 v43;
	v46 =	vmul.f32 $1.442695020e+00, v39;
	v9 =	vadd.f32 v54, v9  }
0x1f4: {  	vm15 =	veq.s32 v4, $0x2C;
	v37 =	vmul.f32 $1.442695020e+00, v31;
	v49 =	vld [tilespmem:s16+$0x3A00];
	v5 =	vsel vm6, v53, v5;
	v57 =	vpop (erf)  }
0x1f5: {  	(erf) = vpow2.f32 v46;
	v5 =	vsel vm7, v55, v5;
	v9 =	vadd.f32 v57, v9  }
0x1f6: {  	vm4 =	veq.s32 v4, $0x2D;
	vm5 =	veq.s32 v4, $0x2E;
	v5 =	vsel vm8, v58, v5;
	v58 =	vpop (erf)  }
0x1f7: {  	v34 =	vmul.f32 $1.442695020e+00, v29;
	(erf) = vpow2.f32 v6;
	v53 =	vld [tilespmem:s16+$0x3B00];
	v9 =	vadd.f32 v58, v9  }
0x1f8: {  	v43 =	vld [tilespmem:s16+$0x4900];
	vm6 =	veq.s32 v4, $0x2F;
	(erf) = vpow2.f32 v13;
	v5 =	vsel vm9, v59, v5;
	v60 =	vpop (erf)  }
0x1f9: {  	v55 =	vld [tilespmem:s16+$0x3B80];
	v6 =	vmul.f32 $1.442695020e+00, v49;
	v5 =	vsel vm10, v61, v5;
	v9 =	vadd.f32 v60, v9  }
0x1fa: {  	vm7 =	veq.s32 v4, $0x30;
	vm8 =	veq.s32 v4, $0x31;
	v5 =	vsel vm11, v63, v5;
	v63 =	vpop (erf)  }
0x1fb: {  	vm9 =	veq.s32 v4, $0x32;
	(erf) = vpow2.f32 v6;
	v21 =	vadd.f32 v63, v9  }
0x1fc: {  	v59 =	vld [tilespmem:s16+$0x4000];
	vm10 =	veq.s32 v4, $0x33;
	v12 =	vmul.f32 $1.442695020e+00, v53;
	vm11 =	veq.s32 v4, $0x34;
	v23 =	vpop (erf)  }
0x1fd: {  	v61 =	vld [tilespmem:s16+$0x4080];
	v5 =	vsel vm12, v28, v5;
	(erf) = vpow2.f32 v56;
	v7 =	vadd.f32 v23, v21  }
0x1fe: {  	v6 =	vmul.f32 $1.442695020e+00, v43;
	v17 =	vmul.f32 $1.442695020e+00, v55;
	v5 =	vsel vm13, v35, v5;
	v26 =	vpop (erf)  }
0x1ff: {  	(erf) = vpow2.f32 v12;
	v5 =	vsel vm14, v36, v5;
	v7 =	vadd.f32 v26, v7  }
0x200: {  	vm12 =	veq.s32 v4, $0x35;
	(erf) = vpow2.f32 v17;
	v5 =	vsel vm15, v38, v5;
	v28 =	vpop (erf)  }
0x201: {  	v22 =	vmul.f32 $1.442695020e+00, v59;
	v5 =	vsel vm4, v40, v5;
	v7 =	vadd.f32 v28, v7  }
0x202: {  	vm13 =	veq.s32 v4, $0x36;
	v25 =	vmul.f32 $1.442695020e+00, v61;
	v30 =	vpop (erf);
	v5 =	vsel vm5, v44, v5  }
0x203: {  	(erf) = vpow2.f32 v22;
	v5 =	vsel vm6, v47, v5;
	v7 =	vadd.f32 v30, v7  }
0x204: {  	v32 =	vld [tilespmem:s16+$0x4300];
	vm14 =	veq.s32 v4, $0x37;
	vm15 =	veq.s32 v4, $0x38;
	v5 =	vsel vm7, v48, v5;
	v33 =	vpop (erf)  }
0x205: {  	v36 =	vld [tilespmem:s16+$0x4380];
	(erf) = vpow2.f32 v25;
	v5 =	vsel vm8, v50, v5;
	v7 =	vadd.f32 v33, v7  }
0x206: {  	vm4 =	veq.s32 v4, $0x39;
	vm5 =	veq.s32 v4, $0x3A;
	v5 =	vsel vm9, v52, v5;
	v35 =	vpop (erf)  }
0x207: {  	(erf) = vpow2.f32 v27;
	v5 =	vsel vm10, v54, v5;
	v7 =	vadd.f32 v35, v7  }
0x208: {  	vm6 =	veq.s32 v4, $0x3B;
	(erf) = vpow2.f32 v8;
	v38 =	vpop (erf);
	v5 =	vsel vm11, v57, v5  }
0x209: {  	v44 =	vld [tilespmem:s16+$0x4A00];
	v8 =	vmul.f32 $1.442695020e+00, v32;
	v5 =	vsel vm12, v58, v5;
	v7 =	vadd.f32 v38, v7  }
0x20a: {  	v41 =	vmul.f32 $1.442695020e+00, v36;
	vm7 =	veq.s32 v4, $0x3C;
	v39 =	vpop (erf);
	v5 =	vsel vm13, v60, v5  }
0x20b: {  	v40 =	vld [tilespmem:s16+$0x4800];
	(erf) = vpow2.f32 v34;
	v5 =	vsel vm14, v63, v5;
	v7 =	vadd.f32 v39, v7  }
0x20c: {  	vm8 =	veq.s32 v4, $0x3D;
	vm9 =	veq.s32 v4, $0x3E;
	v42 =	vpop (erf);
	v5 =	vsel vm15, v23, v5  }
0x20d: {  	(erf) = vpow2.f32 v37;
	v5 =	vsel vm4, v26, v5;
	v7 =	vadd.f32 v42, v7  }
0x20e: {  	v47 =	vld [tilespmem:s16+$0x4B00];
	vm10 =	veq.s32 v4, $0x3F;
	v11 =	vmul.f32 $1.442695020e+00, v44;
	v45 =	vpop (erf);
	v5 =	vsel vm5, v28, v5  }
0x20f: {  	(erf) = vpow2.f32 v8;
	v5 =	vsel vm6, v30, v5;
	v7 =	vadd.f32 v45, v7  }
0x210: {  	v8 =	vmul.f32 $1.442695020e+00, v40;
	vm11 =	veq.s32 v4, $0x40;
	v46 =	vpop (erf);
	v5 =	vsel vm7, v33, v5  }
0x211: {  	(erf) = vpow2.f32 v41;
	v5 =	vsel vm8, v35, v5;
	v7 =	vadd.f32 v46, v7  }
0x212: {  	v49 =	vld [tilespmem:s16+$0x5000];
	vm12 =	veq.s32 v4, $0x41;
	(erf) = vpow2.f32 v8;
	v48 =	vpop (erf);
	v5 =	vsel vm9, v38, v5  }
0x213: {  	v51 =	vmul.f32 $1.442695020e+00, v47;
	v5 =	vsel vm10, v39, v5;
	v7 =	vadd.f32 v48, v7  }
0x214: {  	vm13 =	veq.s32 v4, $0x42;
	(erf) = vpow2.f32 v6;
	v50 =	vpop (erf);
	v5 =	vsel vm11, v42, v5  }
0x215: {  	vm14 =	veq.s32 v4, $0x43;
	v5 =	vsel vm12, v45, v5;
	v7 =	vadd.f32 v50, v7  }
0x216: {  	vm15 =	veq.s32 v4, $0x44;
	(erf) = vpow2.f32 v11;
	v52 =	vpop (erf);
	v5 =	vsel vm13, v46, v5  }
0x217: {  	v54 =	vmul.f32 $1.442695020e+00, v49;
	v5 =	vsel vm14, v48, v5;
	v53 =	vadd.f32 v52, v7  }
0x218: {  	vm4 =	veq.s32 v4, $0x45;
	(erf) = vpow2.f32 v51;
	v55 =	vpop (erf);
	v5 =	vsel vm15, v50, v5  }
0x219: {  	vm5 =	veq.s32 v4, $0x46;
	v5 =	vsel vm4, v52, v5;
	v6 =	vadd.f32 v55, v53  }
0x21a: {  	vm6 =	veq.s32 v4, $0x47;
	(erf) = vpow2.f32 v54;
	v56 =	vpop (erf);
	v5 =	vsel vm5, v55, v5  }
0x21b: {  	vm7 =	veq.s32 v4, $0x48;
	v57 =	vpop (erf);
	v5 =	vsel vm6, v56, v5;
	v6 =	vadd.f32 v56, v6  }
0x21c: {  	vm8 =	veq.s32 v4, $0x49;
	v5 =	vsel vm7, v57, v5  }
0x21d: {  	vm9 =	veq.s32 v4, $0x4A;
	v58 =	vpop (erf);
	v5 =	vsel vm8, v3, v5;
	v6 =	vadd.f32 v57, v6  }
0x21e: {  	vm10 =	veq.s32 v4, $0x4B;
	v5 =	vsel vm9, v58, v5  }
0x21f: {  	vm11 =	veq.s32 v4, $0x4C;
	v59 =	vpop (erf);
	v5 =	vsel vm10, v2, v5;
	v3 =	vadd.f32 v3, v6  }
0x220: {  	vm12 =	veq.s32 v4, $0x4D;
	v5 =	vsel vm11, v59, v5  }
0x221: {  	vm13 =	veq.s32 v4, $0x4E;
	v60 =	vpop (erf);
	v5 =	vsel vm12, v1, v5;
	v3 =	vadd.f32 v58, v3  }
0x222: {  	vm14 =	veq.s32 v4, $0x4F;
	v5 =	vsel vm13, v60, v5  }
0x223: {  	vm15 =	veq.s32 v4, $0x50;
	v62 =	vpop (erf);
	v61 =	vsel vm14, v0, v5;
	v2 =	vadd.f32 v2, v3  }
0x224: {  	v3 =	vsel vm15, v62, v61  }
0x225: {  	(erf) = vrcp.f32 v3;
	v2 =	vadd.f32 v59, v2;
	_ =	sdelay $0x1  }
0x226: {  	v1 =	vadd.f32 v1, v2;
	_ =	sdelay $0x1  }
0x227: {  	v1 =	vadd.f32 v60, v1;
	_ =	sdelay $0x1  }
0x228: {  	v0 =	vadd.f32 v0, v1;
	_ =	sdelay $0x1  }
0x229: {  	v0 =	vadd.f32 v62, v0  }
0x22a: {  	v63 =	vpop (erf)  }
0x22b: {  	s11 =	sadd.s32 $0x1, s11;
	v0 =	vmul.f32 v63, v0  }
0x22c: {  	s31 =	sadd.s32 $0x10, s13;
	p0 =	sne.s32 s11, s6  }
.Ltmp1:
0x22d: {  	[tilespmem:s31+$0x0] =	vst v0;
	(pc) =	sbr.rel @p0 .LBB2_1-.Ltmp1, $4  }
0x22e: {  	[hbm4b:s5+s2] =	stream.linear.scatter [tilespmem:s10], [sflag:$0x1], $0x100, $0x38;
	[tilespmem:$0x5A00] =	vst v63  }
0x22f: {  	_ =	swait.ge [sflag:s9], $0x100  }
0x230: {  	[sflag:s9] =	ssyncset.done $0x0  }
0x231: {  	[sflag:s9] =	ssyncadd.s32 $0xFFFFFF00  }
0x232: {  	_ =	sfence.sel $0x180000  }
0x233: {  	[bflag:$0x0] =	sbarrier.arrive $0xFFFF  }
0x234: {  	p0 =	sne.s32 s1, $0x0;
	_ =	strace $0x90000047  }
0x235: {  	s0 =	sadd.s32 @!p0 $0x100000, s0;
	[bflag:$0x2] =	sbarrier.arrive $0xFFFF  }
0x236: {  	[sflag:s0] =	ssyncadd.tile.s32 @!p0 $0x1;
	_ =	shalt  }
.Lfunc_end2:
_tile_overlayer_lowered:
.L_overlay_start_2:
0x237: {  	(tag) =	ssettag $0x2  }
0x238: {  	s0 =	rddreg [dreg:$0x0];
	s2 =	stileid.u32  }
0x239: {  	s1 =	rddreg [dreg:$0x1];
	p0 =	sne.s32 s2, $0x0  }
0x23a: {  	s3 =	rddreg [dreg:$0x2];
	[bflag:$0x3] =	sbarrier.arrive $0xFFFF;
	s2 =	simm.s32 @!p0 $0x1C01  }
0x23b: {  	[timem:s3], [sflag:s2] =	dma.local @!p0 [hbm:s0], s1  }
0x23c: {  	s0 =	simm.s32 @!p0 $0x1  }
0x23d: {  	_ =	swait.ge @!p0 [sflag:s0], s1  }
0x23e: {  	s1 =	ssub.s32 @!p0 $0x0, s1;
	[sflag:s0] =	ssyncset.done @!p0 $0x0  }
0x23f: {  	[sflag:s0] =	ssyncadd.s32 @!p0 s1  }
0x240: {  	[bflag:$0x3] =	sbarrier.arrive $0xFFFF  }
0x241: {  	_ =	shalt  }

</sc_bundles>
